<compile_context>
chip_gen: v7x
topology: tpu7x:2x2x1
jax: 0.10.2.dev20260603
libtpu: 0.0.44.dev20260713+nightly
codegen_flags: <defaults>
</compile_context>

<pallas_src>
import jax
import jax.numpy as jnp
from jax import lax
from jax.experimental import pallas as pl
from jax.experimental.pallas import tpu as pltpu
from jax.experimental.pallas import tpu_sc as plsc

N_EMBD = 1024
N_FEATURES = 131072
S = 4096
K = 16
NC, NS, L = 2, 16, 16
NW = NC * NS
TOK_PER_W = S // NW
T = 2
NCHUNK = TOK_PER_W // T
ROWS = T * K
NCOL = N_EMBD // L


def _sae_body(vals_hbm, idx_hbm, wdec_hbm, bdec_hbm, out_hbm,
              vals_v, idx_v, bdec_v, rows_v, ostage_v,
              sem0, sem1, osem0, osem1):
    wid = lax.axis_index("s") * NC + lax.axis_index("c")
    tok0 = wid * TOK_PER_W
    base = tok0 * K

    sems = (sem0, sem1)

    st_i = pltpu.make_async_copy(
        idx_hbm.at[pl.ds(base, TOK_PER_W * K)], idx_v, sem0)
    st_v = pltpu.make_async_copy(
        vals_hbm.at[pl.ds(base, TOK_PER_W * K)], vals_v, sem1)
    st_b = pltpu.make_async_copy(bdec_hbm, bdec_v, osem0)
    st_i.start()
    st_v.start()
    st_b.start()

    def gather(c, buf):
        return pltpu.make_async_copy(
            wdec_hbm.at[idx_v.at[pl.ds(c * ROWS, ROWS)]],
            rows_v.at[buf], sems[buf])

    osems = (osem0, osem1)

    def out_store(c, buf):
        return pltpu.make_async_copy(
            ostage_v.at[buf], out_hbm.at[pl.ds(tok0 + c * T, T)], osems[buf])

    def compute(i, c, buf):
        off = c * ROWS
        ws = []
        for t in range(T):
            vv = vals_v[pl.ds(off + t * K, K)]
            ws.extend(vv[k] for k in range(K))
        gather(c, buf).wait()

        @pl.when(i > 0)
        def _():
            out_store(c, buf).wait()

        @plsc.parallel_loop(0, NCOL, unroll=3)
        def col_body(j):
            b = bdec_v[pl.ds(j * L, L)]
            for t in range(T):
                acc = b
                for k in range(K):
                    acc = acc + ws[t * K + k] * rows_v[buf, t * K + k,
                                                      pl.ds(j * L, L)]
                ostage_v[buf, t, pl.ds(j * L, L)] = acc
        out_store(c, buf).start()

    st_i.wait()
    gather(0, 0).start()
    st_v.wait()
    st_b.wait()

    def pair_body(i, carry):
        c0 = 2 * i
        gather(c0 + 1, 1).start()
        compute(i, c0, 0)

        @pl.when(i < NCHUNK // 2 - 1)
        def _():
            gather(c0 + 2, 0).start()

        compute(i, c0 + 1, 1)
        return carry

    lax.fori_loop(0, NCHUNK // 2, pair_body, 0, unroll=False)
    out_store(NCHUNK - 2, 0).wait()
    out_store(NCHUNK - 1, 1).wait()


@jax.jit
def _sae_decode(vals, idx, W_dec, b_dec):
    mesh = plsc.VectorSubcoreMesh(
        core_axis_name="c", subcore_axis_name="s",
        num_cores=NC, num_subcores=NS)
    return pl.kernel(
        _sae_body,
        out_type=jax.ShapeDtypeStruct((S, N_EMBD), jnp.float32),
        mesh=mesh,
        scratch_types=[
            pltpu.VMEM((TOK_PER_W * K,), jnp.float32),
            pltpu.VMEM((TOK_PER_W * K,), jnp.int32),
            pltpu.VMEM((N_EMBD,), jnp.float32),
            pltpu.VMEM((2, ROWS, N_EMBD), jnp.float32),
            pltpu.VMEM((2, T, N_EMBD), jnp.float32),
            pltpu.SemaphoreType.DMA,
            pltpu.SemaphoreType.DMA,
            pltpu.SemaphoreType.DMA,
            pltpu.SemaphoreType.DMA,
        ],
    )(vals, idx, W_dec, b_dec)


def kernel(feat_values, feat_indices, W_dec, b_dec):
    vals = feat_values.reshape(-1).astype(jnp.float32)
    idx = feat_indices.reshape(-1).astype(jnp.int32)
    out = _sae_decode(vals, idx, W_dec, b_dec)
    return out.reshape(1, S, N_EMBD)

# --- scband reference (transcript-rebuilt; emitter-appended) ---
"""Pipeline reference for scband-dummy-sae-6382321402556 (READ-ONLY COPY).

The authoritative reference and input builder live on the scoring server;
editing this copy changes nothing except your own understanding.
"""

import jax, jax.numpy as jnp
import numpy as np

N_EMBD = 1024
N_FEATURES = 131072
B, S, K = 1, 4096, 16

def setup_inputs(seed: int = 0) -> dict:
    key = jax.random.key(seed)
    k1, k2, k3, k4 = jax.random.split(key, 4)
    feat_values = jax.random.normal(k1, (B, S, K), dtype=jnp.float32)
    feat_indices = jax.random.randint(k2, (B, S, K), 0, N_FEATURES, dtype=jnp.int64)
    W_dec = jax.random.normal(k3, (N_FEATURES, N_EMBD), dtype=jnp.float32) / (N_FEATURES ** 0.5)
    b_dec = jax.random.normal(k4, (N_EMBD,), dtype=jnp.float32)
    return {"feat_values": feat_values, "feat_indices": feat_indices, "W_dec": W_dec, "b_dec": b_dec}

def reference(feat_values, feat_indices, W_dec, b_dec):
    # decode_sparse: gather active decoder rows, weighted sum, add bias
    W_dec_active = jnp.take(W_dec, feat_indices, axis=0)  # [b, s, k, e]
    decoded = jnp.einsum('bsk,bske->bse', feat_values, W_dec_active)
    decoded = decoded + b_dec
    return decoded

if __name__ == "__main__":
    import jax
    _d = setup_inputs()
    print(jax.jit(kernel)(*tuple(_d.values())))

</pallas_src>

<mosaic_0001>
#map = affine_map<(d0, d1) -> (0)>
#map1 = affine_map<(d0, d1) -> (0, 0)>
module attributes {stable_mosaic.version = 14 : i64} {
  func.func @_sae_body(%arg0: i32, %arg1: i32, %arg2: memref<65536xf32, #tpu.memory_space<hbm>>, %arg3: memref<65536xi32, #tpu.memory_space<hbm>>, %arg4: memref<131072x1024xf32, #tpu.memory_space<hbm>>, %arg5: memref<1024xf32, #tpu.memory_space<hbm>>, %arg6: memref<4096x1024xf32, #tpu.memory_space<hbm>>, %arg7: memref<2048xf32, #tpu.memory_space<vmem>>, %arg8: memref<2048xi32, #tpu.memory_space<vmem>>, %arg9: memref<1024xf32, #tpu.memory_space<vmem>>, %arg10: memref<2x32x1024xf32, #tpu.memory_space<vmem>>, %arg11: memref<2x2x1024xf32, #tpu.memory_space<vmem>>, %arg12: memref<!tpu.dma_semaphore, #tpu.memory_space<semaphore_mem>>, %arg13: memref<!tpu.dma_semaphore, #tpu.memory_space<semaphore_mem>>, %arg14: memref<!tpu.dma_semaphore, #tpu.memory_space<semaphore_mem>>, %arg15: memref<!tpu.dma_semaphore, #tpu.memory_space<semaphore_mem>>) attributes {dimension_semantics = [#tpu.dimension_semantics<core_parallel>, #tpu.dimension_semantics<subcore_parallel>], iteration_bounds = array<i64: 2, 16>, scalar_prefetch = 0 : i64, scratch_operands = 9 : i64, tpu.core_type = #tpu.core_type<sc_vector_subcore>, window_params = [{transform_indices = #map}, {transform_indices = #map}, {transform_indices = #map1}, {transform_indices = #map}, {transform_indices = #map1}]} {
    %mul3A = arith.constant 2 : i32
    %mul3A_0 = arith.muli %arg1, %mul3A : i32
    %add3A = arith.addi %mul3A_0, %arg0 : i32
    %mul3A_1 = arith.constant 128 : i32
    %mul3A_2 = arith.muli %add3A, %mul3A_1 : i32
    %mul3A_3 = arith.constant 16 : i32
    %mul3A_4 = arith.muli %mul3A_2, %mul3A_3 : i32
    %dma_start3A = tpu.memref_slice %arg3[%mul3A_4] : memref<65536xi32, #tpu.memory_space<hbm>> -> memref<2048xi32, #tpu.memory_space<hbm>>
    %dma_start3A_5 = tpu.memref_slice %arg3[%mul3A_4] : memref<65536xi32, #tpu.memory_space<hbm>> -> memref<2048xi32, #tpu.memory_space<hbm>>
    tpu.enqueue_dma source(%dma_start3A_5 : memref<2048xi32, #tpu.memory_space<hbm>>) target(%arg8 : memref<2048xi32, #tpu.memory_space<vmem>>) target_semaphore(%arg12 : memref<!tpu.dma_semaphore, #tpu.memory_space<semaphore_mem>>)
    %dma_start3A_6 = tpu.memref_slice %arg2[%mul3A_4] : memref<65536xf32, #tpu.memory_space<hbm>> -> memref<2048xf32, #tpu.memory_space<hbm>>
    %dma_start3A_7 = tpu.memref_slice %arg2[%mul3A_4] : memref<65536xf32, #tpu.memory_space<hbm>> -> memref<2048xf32, #tpu.memory_space<hbm>>
    tpu.enqueue_dma source(%dma_start3A_7 : memref<2048xf32, #tpu.memory_space<hbm>>) target(%arg7 : memref<2048xf32, #tpu.memory_space<vmem>>) target_semaphore(%arg13 : memref<!tpu.dma_semaphore, #tpu.memory_space<semaphore_mem>>)
    tpu.enqueue_dma source(%arg5 : memref<1024xf32, #tpu.memory_space<hbm>>) target(%arg9 : memref<1024xf32, #tpu.memory_space<vmem>>) target_semaphore(%arg14 : memref<!tpu.dma_semaphore, #tpu.memory_space<semaphore_mem>>)
    %dma_wait3A = tpu.memref_slice %arg3[%mul3A_4] : memref<65536xi32, #tpu.memory_space<hbm>> -> memref<2048xi32, #tpu.memory_space<hbm>>
    %dma_wait3A_8 = tpu.memref_slice %arg3[%mul3A_4] : memref<65536xi32, #tpu.memory_space<hbm>> -> memref<2048xi32, #tpu.memory_space<hbm>>
    tpu.wait_dma2 semaphore(%arg12 : memref<!tpu.dma_semaphore, #tpu.memory_space<semaphore_mem>>) src(%dma_wait3A_8 : memref<2048xi32, #tpu.memory_space<hbm>>) dst(%arg8 : memref<2048xi32, #tpu.memory_space<vmem>>)
    %dma_start3A_9 = arith.constant 0 : i32
    %dma_start3A_10 = arith.constant 0 : i32
    %dma_start3A_11 = arith.constant 0 : i32
    %dma_start3A_12 = tpu.memref_slice %arg10[%dma_start3A_9, %dma_start3A_10, %dma_start3A_11] : memref<2x32x1024xf32, #tpu.memory_space<vmem>> -> memref<1x32x1024xf32, #tpu.memory_space<vmem>>
    %dma_start3A_13 = tpu.memref_squeeze %dma_start3A_12 : memref<1x32x1024xf32, #tpu.memory_space<vmem>> -> memref<32x1024xf32, #tpu.memory_space<vmem>>
    %dma_start3A_14 = arith.constant 0 : i32
    %dma_start3A_15 = tpu.memref_slice %arg8[%dma_start3A_14] : memref<2048xi32, #tpu.memory_space<vmem>> -> memref<32xi32, #tpu.memory_space<vmem>>
    %dma_start3A_16 = arith.constant 0 : i32
    %dma_start3A_17 = arith.constant 0 : i32
    %dma_start3A_18 = tpu.memref_slice %arg4[%dma_start3A_16, %dma_start3A_17] : memref<131072x1024xf32, #tpu.memory_space<hbm>> -> memref<131072x1024xf32, #tpu.memory_space<hbm>>
    tpu.enqueue_indirect_dma source(%dma_start3A_18 : memref<131072x1024xf32, #tpu.memory_space<hbm>>) target(%dma_start3A_13 : memref<32x1024xf32, #tpu.memory_space<vmem>>) offsets(%dma_start3A_15 : memref<32xi32, #tpu.memory_space<vmem>>) semaphore(%arg12 : memref<!tpu.dma_semaphore, #tpu.memory_space<semaphore_mem>>)
    %dma_wait3A_19 = tpu.memref_slice %arg2[%mul3A_4] : memref<65536xf32, #tpu.memory_space<hbm>> -> memref<2048xf32, #tpu.memory_space<hbm>>
    %dma_wait3A_20 = tpu.memref_slice %arg2[%mul3A_4] : memref<65536xf32, #tpu.memory_space<hbm>> -> memref<2048xf32, #tpu.memory_space<hbm>>
    tpu.wait_dma2 semaphore(%arg13 : memref<!tpu.dma_semaphore, #tpu.memory_space<semaphore_mem>>) src(%dma_wait3A_20 : memref<2048xf32, #tpu.memory_space<hbm>>) dst(%arg7 : memref<2048xf32, #tpu.memory_space<vmem>>)
    tpu.wait_dma2 semaphore(%arg14 : memref<!tpu.dma_semaphore, #tpu.memory_space<semaphore_mem>>) src(%arg5 : memref<1024xf32, #tpu.memory_space<hbm>>) dst(%arg9 : memref<1024xf32, #tpu.memory_space<vmem>>)
    %scan3A = arith.constant 0 : i32
    %scan3A_21 = arith.constant 0 : i32
    %scan3A_22 = arith.constant 32 : i32
    %scan3A_23 = arith.addi %scan3A_21, %scan3A_22 : i32
    %scan3A_24 = arith.constant 1 : i32
    scf.for %scan3A_56 = %scan3A_21 to %scan3A_23 step %scan3A_24  : i32 {
      %mul3A_57 = arith.constant 2 : i32
      %mul3A_58 = arith.muli %mul3A_57, %scan3A_56 : i32
      %add3A_59 = arith.constant 1 : i32
      %add3A_60 = arith.addi %mul3A_58, %add3A_59 : i32
      %mul3A_61 = arith.constant 32 : i32
      %mul3A_62 = arith.muli %add3A_60, %mul3A_61 : i32
      %dma_start3A_63 = arith.constant 1 : i32
      %dma_start3A_64 = arith.constant 0 : i32
      %dma_start3A_65 = arith.constant 0 : i32
      %dma_start3A_66 = tpu.memref_slice %arg10[%dma_start3A_63, %dma_start3A_64, %dma_start3A_65] : memref<2x32x1024xf32, #tpu.memory_space<vmem>> -> memref<1x32x1024xf32, #tpu.memory_space<vmem>>
      %dma_start3A_67 = tpu.memref_squeeze %dma_start3A_66 : memref<1x32x1024xf32, #tpu.memory_space<vmem>> -> memref<32x1024xf32, #tpu.memory_space<vmem>>
      %dma_start3A_68 = tpu.memref_slice %arg8[%mul3A_62] : memref<2048xi32, #tpu.memory_space<vmem>> -> memref<32xi32, #tpu.memory_space<vmem>>
      %dma_start3A_69 = arith.constant 0 : i32
      %dma_start3A_70 = arith.constant 0 : i32
      %dma_start3A_71 = tpu.memref_slice %arg4[%dma_start3A_69, %dma_start3A_70] : memref<131072x1024xf32, #tpu.memory_space<hbm>> -> memref<131072x1024xf32, #tpu.memory_space<hbm>>
      tpu.enqueue_indirect_dma source(%dma_start3A_71 : memref<131072x1024xf32, #tpu.memory_space<hbm>>) target(%dma_start3A_67 : memref<32x1024xf32, #tpu.memory_space<vmem>>) offsets(%dma_start3A_68 : memref<32xi32, #tpu.memory_space<vmem>>) semaphore(%arg13 : memref<!tpu.dma_semaphore, #tpu.memory_space<semaphore_mem>>)
      %mul3A_72 = arith.constant 32 : i32
      %mul3A_73 = arith.muli %mul3A_58, %mul3A_72 : i32
      %add3A_74 = arith.constant 0 : i32
      %add3A_75 = arith.addi %mul3A_73, %add3A_74 : i32
      %get3A = arith.index_cast %add3A_75 : i32 to index
      %get3A_76 = tpu.vector_load %arg7[%get3A] {strides = array<i32>} : memref<2048xf32, #tpu.memory_space<vmem>>, vector<16xf32>,
      %get3A_77 = vector.shape_cast %get3A_76 : vector<16xf32> to vector<16xf32>
      %slice3A = vector.extract_strided_slice %get3A_77 {offsets = [0], sizes = [1], strides = [1]} : vector<16xf32> to vector<1xf32>
      %squeeze3A = vector.extract %slice3A[0] : f32 from vector<1xf32>
      %slice3A_78 = vector.extract_strided_slice %get3A_77 {offsets = [1], sizes = [1], strides = [1]} : vector<16xf32> to vector<1xf32>
      %squeeze3A_79 = vector.extract %slice3A_78[0] : f32 from vector<1xf32>
      %slice3A_80 = vector.extract_strided_slice %get3A_77 {offsets = [2], sizes = [1], strides = [1]} : vector<16xf32> to vector<1xf32>
      %squeeze3A_81 = vector.extract %slice3A_80[0] : f32 from vector<1xf32>
      %slice3A_82 = vector.extract_strided_slice %get3A_77 {offsets = [3], sizes = [1], strides = [1]} : vector<16xf32> to vector<1xf32>
      %squeeze3A_83 = vector.extract %slice3A_82[0] : f32 from vector<1xf32>
      %slice3A_84 = vector.extract_strided_slice %get3A_77 {offsets = [4], sizes = [1], strides = [1]} : vector<16xf32> to vector<1xf32>
      %squeeze3A_85 = vector.extract %slice3A_84[0] : f32 from vector<1xf32>
      %slice3A_86 = vector.extract_strided_slice %get3A_77 {offsets = [5], sizes = [1], strides = [1]} : vector<16xf32> to vector<1xf32>
      %squeeze3A_87 = vector.extract %slice3A_86[0] : f32 from vector<1xf32>
      %slice3A_88 = vector.extract_strided_slice %get3A_77 {offsets = [6], sizes = [1], strides = [1]} : vector<16xf32> to vector<1xf32>
      %squeeze3A_89 = vector.extract %slice3A_88[0] : f32 from vector<1xf32>
      %slice3A_90 = vector.extract_strided_slice %get3A_77 {offsets = [7], sizes = [1], strides = [1]} : vector<16xf32> to vector<1xf32>
      %squeeze3A_91 = vector.extract %slice3A_90[0] : f32 from vector<1xf32>
      %slice3A_92 = vector.extract_strided_slice %get3A_77 {offsets = [8], sizes = [1], strides = [1]} : vector<16xf32> to vector<1xf32>
      %squeeze3A_93 = vector.extract %slice3A_92[0] : f32 from vector<1xf32>
      %slice3A_94 = vector.extract_strided_slice %get3A_77 {offsets = [9], sizes = [1], strides = [1]} : vector<16xf32> to vector<1xf32>
      %squeeze3A_95 = vector.extract %slice3A_94[0] : f32 from vector<1xf32>
      %slice3A_96 = vector.extract_strided_slice %get3A_77 {offsets = [10], sizes = [1], strides = [1]} : vector<16xf32> to vector<1xf32>
      %squeeze3A_97 = vector.extract %slice3A_96[0] : f32 from vector<1xf32>
      %slice3A_98 = vector.extract_strided_slice %get3A_77 {offsets = [11], sizes = [1], strides = [1]} : vector<16xf32> to vector<1xf32>
      %squeeze3A_99 = vector.extract %slice3A_98[0] : f32 from vector<1xf32>
      %slice3A_100 = vector.extract_strided_slice %get3A_77 {offsets = [12], sizes = [1], strides = [1]} : vector<16xf32> to vector<1xf32>
      %squeeze3A_101 = vector.extract %slice3A_100[0] : f32 from vector<1xf32>
      %slice3A_102 = vector.extract_strided_slice %get3A_77 {offsets = [13], sizes = [1], strides = [1]} : vector<16xf32> to vector<1xf32>
      %squeeze3A_103 = vector.extract %slice3A_102[0] : f32 from vector<1xf32>
      %slice3A_104 = vector.extract_strided_slice %get3A_77 {offsets = [14], sizes = [1], strides = [1]} : vector<16xf32> to vector<1xf32>
      %squeeze3A_105 = vector.extract %slice3A_104[0] : f32 from vector<1xf32>
      %slice3A_106 = vector.extract_strided_slice %get3A_77 {offsets = [15], sizes = [1], strides = [1]} : vector<16xf32> to vector<1xf32>
      %squeeze3A_107 = vector.extract %slice3A_106[0] : f32 from vector<1xf32>
      %add3A_108 = arith.constant 16 : i32
      %add3A_109 = arith.addi %mul3A_73, %add3A_108 : i32
      %get3A_110 = arith.index_cast %add3A_109 : i32 to index
      %get3A_111 = tpu.vector_load %arg7[%get3A_110] {strides = array<i32>} : memref<2048xf32, #tpu.memory_space<vmem>>, vector<16xf32>,
      %get3A_112 = vector.shape_cast %get3A_111 : vector<16xf32> to vector<16xf32>
      %slice3A_113 = vector.extract_strided_slice %get3A_112 {offsets = [0], sizes = [1], strides = [1]} : vector<16xf32> to vector<1xf32>
      %squeeze3A_114 = vector.extract %slice3A_113[0] : f32 from vector<1xf32>
      %slice3A_115 = vector.extract_strided_slice %get3A_112 {offsets = [1], sizes = [1], strides = [1]} : vector<16xf32> to vector<1xf32>
      %squeeze3A_116 = vector.extract %slice3A_115[0] : f32 from vector<1xf32>
      %slice3A_117 = vector.extract_strided_slice %get3A_112 {offsets = [2], sizes = [1], strides = [1]} : vector<16xf32> to vector<1xf32>
      %squeeze3A_118 = vector.extract %slice3A_117[0] : f32 from vector<1xf32>
      %slice3A_119 = vector.extract_strided_slice %get3A_112 {offsets = [3], sizes = [1], strides = [1]} : vector<16xf32> to vector<1xf32>
      %squeeze3A_120 = vector.extract %slice3A_119[0] : f32 from vector<1xf32>
      %slice3A_121 = vector.extract_strided_slice %get3A_112 {offsets = [4], sizes = [1], strides = [1]} : vector<16xf32> to vector<1xf32>
      %squeeze3A_122 = vector.extract %slice3A_121[0] : f32 from vector<1xf32>
      %slice3A_123 = vector.extract_strided_slice %get3A_112 {offsets = [5], sizes = [1], strides = [1]} : vector<16xf32> to vector<1xf32>
      %squeeze3A_124 = vector.extract %slice3A_123[0] : f32 from vector<1xf32>
      %slice3A_125 = vector.extract_strided_slice %get3A_112 {offsets = [6], sizes = [1], strides = [1]} : vector<16xf32> to vector<1xf32>
      %squeeze3A_126 = vector.extract %slice3A_125[0] : f32 from vector<1xf32>
      %slice3A_127 = vector.extract_strided_slice %get3A_112 {offsets = [7], sizes = [1], strides = [1]} : vector<16xf32> to vector<1xf32>
      %squeeze3A_128 = vector.extract %slice3A_127[0] : f32 from vector<1xf32>
      %slice3A_129 = vector.extract_strided_slice %get3A_112 {offsets = [8], sizes = [1], strides = [1]} : vector<16xf32> to vector<1xf32>
      %squeeze3A_130 = vector.extract %slice3A_129[0] : f32 from vector<1xf32>
      %slice3A_131 = vector.extract_strided_slice %get3A_112 {offsets = [9], sizes = [1], strides = [1]} : vector<16xf32> to vector<1xf32>
      %squeeze3A_132 = vector.extract %slice3A_131[0] : f32 from vector<1xf32>
      %slice3A_133 = vector.extract_strided_slice %get3A_112 {offsets = [10], sizes = [1], strides = [1]} : vector<16xf32> to vector<1xf32>
      %squeeze3A_134 = vector.extract %slice3A_133[0] : f32 from vector<1xf32>
      %slice3A_135 = vector.extract_strided_slice %get3A_112 {offsets = [11], sizes = [1], strides = [1]} : vector<16xf32> to vector<1xf32>
      %squeeze3A_136 = vector.extract %slice3A_135[0] : f32 from vector<1xf32>
      %slice3A_137 = vector.extract_strided_slice %get3A_112 {offsets = [12], sizes = [1], strides = [1]} : vector<16xf32> to vector<1xf32>
      %squeeze3A_138 = vector.extract %slice3A_137[0] : f32 from vector<1xf32>
      %slice3A_139 = vector.extract_strided_slice %get3A_112 {offsets = [13], sizes = [1], strides = [1]} : vector<16xf32> to vector<1xf32>
      %squeeze3A_140 = vector.extract %slice3A_139[0] : f32 from vector<1xf32>
      %slice3A_141 = vector.extract_strided_slice %get3A_112 {offsets = [14], sizes = [1], strides = [1]} : vector<16xf32> to vector<1xf32>
      %squeeze3A_142 = vector.extract %slice3A_141[0] : f32 from vector<1xf32>
      %slice3A_143 = vector.extract_strided_slice %get3A_112 {offsets = [15], sizes = [1], strides = [1]} : vector<16xf32> to vector<1xf32>
      %squeeze3A_144 = vector.extract %slice3A_143[0] : f32 from vector<1xf32>
      %mul3A_145 = arith.constant 32 : i32
      %mul3A_146 = arith.muli %mul3A_58, %mul3A_145 : i32
      %dma_wait3A_147 = arith.constant 0 : i32
      %dma_wait3A_148 = arith.constant 0 : i32
      %dma_wait3A_149 = arith.constant 0 : i32
      %dma_wait3A_150 = tpu.memref_slice %arg10[%dma_wait3A_147, %dma_wait3A_148, %dma_wait3A_149] : memref<2x32x1024xf32, #tpu.memory_space<vmem>> -> memref<1x32x1024xf32, #tpu.memory_space<vmem>>
      %dma_wait3A_151 = tpu.memref_squeeze %dma_wait3A_150 : memref<1x32x1024xf32, #tpu.memory_space<vmem>> -> memref<32x1024xf32, #tpu.memory_space<vmem>>
      %dma_wait3A_152 = tpu.memref_slice %arg8[%mul3A_146] : memref<2048xi32, #tpu.memory_space<vmem>> -> memref<32xi32, #tpu.memory_space<vmem>>
      %dma_wait3A_153 = arith.constant 0 : i32
      %dma_wait3A_154 = arith.constant 0 : i32
      %dma_wait3A_155 = tpu.memref_slice %arg4[%dma_wait3A_153, %dma_wait3A_154] : memref<131072x1024xf32, #tpu.memory_space<hbm>> -> memref<131072x1024xf32, #tpu.memory_space<hbm>>
      tpu.wait_indirect_dma semaphore(%arg12 : memref<!tpu.dma_semaphore, #tpu.memory_space<semaphore_mem>>) src(%dma_wait3A_155 : memref<131072x1024xf32, #tpu.memory_space<hbm>>) dst(%dma_wait3A_151 : memref<32x1024xf32, #tpu.memory_space<vmem>>)
      %gt3A = arith.constant 0 : i32
      %gt3A_156 = arith.cmpi sgt, %scan3A_56, %gt3A : i32
      %convert_element_type3A = arith.extui %gt3A_156 : i1 to i32
      %cond3A = arith.constant 0 : i32
      %cond3A_157 = arith.cmpi ne, %convert_element_type3A, %cond3A : i32
      scf.if %cond3A_157 {
        %mul3A_293 = arith.constant 2 : i32
        %mul3A_294 = arith.muli %mul3A_58, %mul3A_293 : i32
        %add3A_295 = arith.addi %mul3A_2, %mul3A_294 : i32
        %dma_wait3A_296 = arith.constant 0 : i32
        %dma_wait3A_297 = arith.constant 0 : i32
        %dma_wait3A_298 = arith.constant 0 : i32
        %dma_wait3A_299 = tpu.memref_slice %arg11[%dma_wait3A_296, %dma_wait3A_297, %dma_wait3A_298] : memref<2x2x1024xf32, #tpu.memory_space<vmem>> -> memref<1x2x1024xf32, #tpu.memory_space<vmem>>
        %dma_wait3A_300 = tpu.memref_squeeze %dma_wait3A_299 : memref<1x2x1024xf32, #tpu.memory_space<vmem>> -> memref<2x1024xf32, #tpu.memory_space<vmem>>
        %dma_wait3A_301 = arith.constant 0 : i32
        %dma_wait3A_302 = tpu.memref_slice %arg6[%add3A_295, %dma_wait3A_301] : memref<4096x1024xf32, #tpu.memory_space<hbm>> -> memref<2x1024xf32, #tpu.memory_space<hbm>>
        %dma_wait3A_303 = arith.constant 0 : i32
        %dma_wait3A_304 = tpu.memref_slice %arg6[%add3A_295, %dma_wait3A_303] : memref<4096x1024xf32, #tpu.memory_space<hbm>> -> memref<2x1024xf32, #tpu.memory_space<hbm>>
        %dma_wait3A_305 = arith.constant 0 : i32
        %dma_wait3A_306 = arith.constant 0 : i32
        %dma_wait3A_307 = tpu.memref_slice %arg11[%dma_wait3A_296, %dma_wait3A_305, %dma_wait3A_306] : memref<2x2x1024xf32, #tpu.memory_space<vmem>> -> memref<1x2x1024xf32, #tpu.memory_space<vmem>>
        %dma_wait3A_308 = tpu.memref_squeeze %dma_wait3A_307 : memref<1x2x1024xf32, #tpu.memory_space<vmem>> -> memref<2x1024xf32, #tpu.memory_space<vmem>>
        tpu.wait_dma2 semaphore(%arg14 : memref<!tpu.dma_semaphore, #tpu.memory_space<semaphore_mem>>) src(%dma_wait3A_308 : memref<2x1024xf32, #tpu.memory_space<vmem>>) dst(%dma_wait3A_304 : memref<2x1024xf32, #tpu.memory_space<hbm>>)
      } else {
      }
      %parallel_loop3A = arith.constant 0 : i32
      %parallel_loop3A_158 = arith.constant 64 : i32
      %parallel_loop3A_159 = arith.constant 1 : i32
      scf.for %parallel_loop3A_293 = %parallel_loop3A to %parallel_loop3A_158 step %parallel_loop3A_159  : i32 {
        %parallel_loop3A_294 = arith.constant 16 : i32
        %parallel_loop3A_295 = arith.muli %parallel_loop3A_293, %parallel_loop3A_294 : i32
        %parallel_loop3A_296 = arith.index_cast %parallel_loop3A_295 : i32 to index
        %parallel_loop3A_297 = tpu.vector_load %arg9[%parallel_loop3A_296] {strides = array<i32>} : memref<1024xf32, #tpu.memory_space<vmem>>, vector<16xf32>,
        %parallel_loop3A_298 = vector.shape_cast %parallel_loop3A_297 : vector<16xf32> to vector<16xf32>
        %parallel_loop3A_299 = arith.constant 16 : i32
        %parallel_loop3A_300 = arith.muli %parallel_loop3A_293, %parallel_loop3A_299 : i32
        %parallel_loop3A_301 = arith.constant 0 : i32
        %parallel_loop3A_302 = arith.constant 0 : i32
        %parallel_loop3A_303 = arith.index_cast %parallel_loop3A_301 : i32 to index
        %parallel_loop3A_304 = arith.index_cast %parallel_loop3A_302 : i32 to index
        %parallel_loop3A_305 = arith.index_cast %parallel_loop3A_300 : i32 to index
        %parallel_loop3A_306 = tpu.vector_load %arg10[%parallel_loop3A_303, %parallel_loop3A_304, %parallel_loop3A_305] {strides = array<i32>} : memref<2x32x1024xf32, #tpu.memory_space<vmem>>, vector<1x1x16xf32>,
        %parallel_loop3A_307 = vector.shape_cast %parallel_loop3A_306 : vector<1x1x16xf32> to vector<16xf32>
        %parallel_loop3A_308 = vector.broadcast %squeeze3A : f32 to vector<16xf32>
        %parallel_loop3A_309 = arith.mulf %parallel_loop3A_308, %parallel_loop3A_307 : vector<16xf32>
        %parallel_loop3A_310 = arith.addf %parallel_loop3A_298, %parallel_loop3A_309 : vector<16xf32>
        %parallel_loop3A_311 = arith.constant 16 : i32
        %parallel_loop3A_312 = arith.muli %parallel_loop3A_293, %parallel_loop3A_311 : i32
        %parallel_loop3A_313 = arith.constant 0 : i32
        %parallel_loop3A_314 = arith.constant 1 : i32
        %parallel_loop3A_315 = arith.index_cast %parallel_loop3A_313 : i32 to index
        %parallel_loop3A_316 = arith.index_cast %parallel_loop3A_314 : i32 to index
        %parallel_loop3A_317 = arith.index_cast %parallel_loop3A_312 : i32 to index
        %parallel_loop3A_318 = tpu.vector_load %arg10[%parallel_loop3A_315, %parallel_loop3A_316, %parallel_loop3A_317] {strides = array<i32>} : memref<2x32x1024xf32, #tpu.memory_space<vmem>>, vector<1x1x16xf32>,
        %parallel_loop3A_319 = vector.shape_cast %parallel_loop3A_318 : vector<1x1x16xf32> to vector<16xf32>
        %parallel_loop3A_320 = vector.broadcast %squeeze3A_79 : f32 to vector<16xf32>
        %parallel_loop3A_321 = arith.mulf %parallel_loop3A_320, %parallel_loop3A_319 : vector<16xf32>
        %parallel_loop3A_322 = arith.addf %parallel_loop3A_310, %parallel_loop3A_321 : vector<16xf32>
        %parallel_loop3A_323 = arith.constant 16 : i32
        %parallel_loop3A_324 = arith.muli %parallel_loop3A_293, %parallel_loop3A_323 : i32
        %parallel_loop3A_325 = arith.constant 0 : i32
        %parallel_loop3A_326 = arith.constant 2 : i32
        %parallel_loop3A_327 = arith.index_cast %parallel_loop3A_325 : i32 to index
        %parallel_loop3A_328 = arith.index_cast %parallel_loop3A_326 : i32 to index
        %parallel_loop3A_329 = arith.index_cast %parallel_loop3A_324 : i32 to index
        %parallel_loop3A_330 = tpu.vector_load %arg10[%parallel_loop3A_327, %parallel_loop3A_328, %parallel_loop3A_329] {strides = array<i32>} : memref<2x32x1024xf32, #tpu.memory_space<vmem>>, vector<1x1x16xf32>,
        %parallel_loop3A_331 = vector.shape_cast %parallel_loop3A_330 : vector<1x1x16xf32> to vector<16xf32>
        %parallel_loop3A_332 = vector.broadcast %squeeze3A_81 : f32 to vector<16xf32>
        %parallel_loop3A_333 = arith.mulf %parallel_loop3A_332, %parallel_loop3A_331 : vector<16xf32>
        %parallel_loop3A_334 = arith.addf %parallel_loop3A_322, %parallel_loop3A_333 : vector<16xf32>
        %parallel_loop3A_335 = arith.constant 16 : i32
        %parallel_loop3A_336 = arith.muli %parallel_loop3A_293, %parallel_loop3A_335 : i32
        %parallel_loop3A_337 = arith.constant 0 : i32
        %parallel_loop3A_338 = arith.constant 3 : i32
        %parallel_loop3A_339 = arith.index_cast %parallel_loop3A_337 : i32 to index
        %parallel_loop3A_340 = arith.index_cast %parallel_loop3A_338 : i32 to index
        %parallel_loop3A_341 = arith.index_cast %parallel_loop3A_336 : i32 to index
        %parallel_loop3A_342 = tpu.vector_load %arg10[%parallel_loop3A_339, %parallel_loop3A_340, %parallel_loop3A_341] {strides = array<i32>} : memref<2x32x1024xf32, #tpu.memory_space<vmem>>, vector<1x1x16xf32>,
        %parallel_loop3A_343 = vector.shape_cast %parallel_loop3A_342 : vector<1x1x16xf32> to vector<16xf32>
        %parallel_loop3A_344 = vector.broadcast %squeeze3A_83 : f32 to vector<16xf32>
        %parallel_loop3A_345 = arith.mulf %parallel_loop3A_344, %parallel_loop3A_343 : vector<16xf32>
        %parallel_loop3A_346 = arith.addf %parallel_loop3A_334, %parallel_loop3A_345 : vector<16xf32>
        %parallel_loop3A_347 = arith.constant 16 : i32
        %parallel_loop3A_348 = arith.muli %parallel_loop3A_293, %parallel_loop3A_347 : i32
        %parallel_loop3A_349 = arith.constant 0 : i32
        %parallel_loop3A_350 = arith.constant 4 : i32
        %parallel_loop3A_351 = arith.index_cast %parallel_loop3A_349 : i32 to index
        %parallel_loop3A_352 = arith.index_cast %parallel_loop3A_350 : i32 to index
        %parallel_loop3A_353 = arith.index_cast %parallel_loop3A_348 : i32 to index
        %parallel_loop3A_354 = tpu.vector_load %arg10[%parallel_loop3A_351, %parallel_loop3A_352, %parallel_loop3A_353] {strides = array<i32>} : memref<2x32x1024xf32, #tpu.memory_space<vmem>>, vector<1x1x16xf32>,
        %parallel_loop3A_355 = vector.shape_cast %parallel_loop3A_354 : vector<1x1x16xf32> to vector<16xf32>
        %parallel_loop3A_356 = vector.broadcast %squeeze3A_85 : f32 to vector<16xf32>
        %parallel_loop3A_357 = arith.mulf %parallel_loop3A_356, %parallel_loop3A_355 : vector<16xf32>
        %parallel_loop3A_358 = arith.addf %parallel_loop3A_346, %parallel_loop3A_357 : vector<16xf32>
        %parallel_loop3A_359 = arith.constant 16 : i32
        %parallel_loop3A_360 = arith.muli %parallel_loop3A_293, %parallel_loop3A_359 : i32
        %parallel_loop3A_361 = arith.constant 0 : i32
        %parallel_loop3A_362 = arith.constant 5 : i32
        %parallel_loop3A_363 = arith.index_cast %parallel_loop3A_361 : i32 to index
        %parallel_loop3A_364 = arith.index_cast %parallel_loop3A_362 : i32 to index
        %parallel_loop3A_365 = arith.index_cast %parallel_loop3A_360 : i32 to index
        %parallel_loop3A_366 = tpu.vector_load %arg10[%parallel_loop3A_363, %parallel_loop3A_364, %parallel_loop3A_365] {strides = array<i32>} : memref<2x32x1024xf32, #tpu.memory_space<vmem>>, vector<1x1x16xf32>,
        %parallel_loop3A_367 = vector.shape_cast %parallel_loop3A_366 : vector<1x1x16xf32> to vector<16xf32>
        %parallel_loop3A_368 = vector.broadcast %squeeze3A_87 : f32 to vector<16xf32>
        %parallel_loop3A_369 = arith.mulf %parallel_loop3A_368, %parallel_loop3A_367 : vector<16xf32>
        %parallel_loop3A_370 = arith.addf %parallel_loop3A_358, %parallel_loop3A_369 : vector<16xf32>
        %parallel_loop3A_371 = arith.constant 16 : i32
        %parallel_loop3A_372 = arith.muli %parallel_loop3A_293, %parallel_loop3A_371 : i32
        %parallel_loop3A_373 = arith.constant 0 : i32
        %parallel_loop3A_374 = arith.constant 6 : i32
        %parallel_loop3A_375 = arith.index_cast %parallel_loop3A_373 : i32 to index
        %parallel_loop3A_376 = arith.index_cast %parallel_loop3A_374 : i32 to index
        %parallel_loop3A_377 = arith.index_cast %parallel_loop3A_372 : i32 to index
        %parallel_loop3A_378 = tpu.vector_load %arg10[%parallel_loop3A_375, %parallel_loop3A_376, %parallel_loop3A_377] {strides = array<i32>} : memref<2x32x1024xf32, #tpu.memory_space<vmem>>, vector<1x1x16xf32>,
        %parallel_loop3A_379 = vector.shape_cast %parallel_loop3A_378 : vector<1x1x16xf32> to vector<16xf32>
        %parallel_loop3A_380 = vector.broadcast %squeeze3A_89 : f32 to vector<16xf32>
        %parallel_loop3A_381 = arith.mulf %parallel_loop3A_380, %parallel_loop3A_379 : vector<16xf32>
        %parallel_loop3A_382 = arith.addf %parallel_loop3A_370, %parallel_loop3A_381 : vector<16xf32>
        %parallel_loop3A_383 = arith.constant 16 : i32
        %parallel_loop3A_384 = arith.muli %parallel_loop3A_293, %parallel_loop3A_383 : i32
        %parallel_loop3A_385 = arith.constant 0 : i32
        %parallel_loop3A_386 = arith.constant 7 : i32
        %parallel_loop3A_387 = arith.index_cast %parallel_loop3A_385 : i32 to index
        %parallel_loop3A_388 = arith.index_cast %parallel_loop3A_386 : i32 to index
        %parallel_loop3A_389 = arith.index_cast %parallel_loop3A_384 : i32 to index
        %parallel_loop3A_390 = tpu.vector_load %arg10[%parallel_loop3A_387, %parallel_loop3A_388, %parallel_loop3A_389] {strides = array<i32>} : memref<2x32x1024xf32, #tpu.memory_space<vmem>>, vector<1x1x16xf32>,
        %parallel_loop3A_391 = vector.shape_cast %parallel_loop3A_390 : vector<1x1x16xf32> to vector<16xf32>
        %parallel_loop3A_392 = vector.broadcast %squeeze3A_91 : f32 to vector<16xf32>
        %parallel_loop3A_393 = arith.mulf %parallel_loop3A_392, %parallel_loop3A_391 : vector<16xf32>
        %parallel_loop3A_394 = arith.addf %parallel_loop3A_382, %parallel_loop3A_393 : vector<16xf32>
        %parallel_loop3A_395 = arith.constant 16 : i32
        %parallel_loop3A_396 = arith.muli %parallel_loop3A_293, %parallel_loop3A_395 : i32
        %parallel_loop3A_397 = arith.constant 0 : i32
        %parallel_loop3A_398 = arith.constant 8 : i32
        %parallel_loop3A_399 = arith.index_cast %parallel_loop3A_397 : i32 to index
        %parallel_loop3A_400 = arith.index_cast %parallel_loop3A_398 : i32 to index
        %parallel_loop3A_401 = arith.index_cast %parallel_loop3A_396 : i32 to index
        %parallel_loop3A_402 = tpu.vector_load %arg10[%parallel_loop3A_399, %parallel_loop3A_400, %parallel_loop3A_401] {strides = array<i32>} : memref<2x32x1024xf32, #tpu.memory_space<vmem>>, vector<1x1x16xf32>,
        %parallel_loop3A_403 = vector.shape_cast %parallel_loop3A_402 : vector<1x1x16xf32> to vector<16xf32>
        %parallel_loop3A_404 = vector.broadcast %squeeze3A_93 : f32 to vector<16xf32>
        %parallel_loop3A_405 = arith.mulf %parallel_loop3A_404, %parallel_loop3A_403 : vector<16xf32>
        %parallel_loop3A_406 = arith.addf %parallel_loop3A_394, %parallel_loop3A_405 : vector<16xf32>
        %parallel_loop3A_407 = arith.constant 16 : i32
        %parallel_loop3A_408 = arith.muli %parallel_loop3A_293, %parallel_loop3A_407 : i32
        %parallel_loop3A_409 = arith.constant 0 : i32
        %parallel_loop3A_410 = arith.constant 9 : i32
        %parallel_loop3A_411 = arith.index_cast %parallel_loop3A_409 : i32 to index
        %parallel_loop3A_412 = arith.index_cast %parallel_loop3A_410 : i32 to index
        %parallel_loop3A_413 = arith.index_cast %parallel_loop3A_408 : i32 to index
        %parallel_loop3A_414 = tpu.vector_load %arg10[%parallel_loop3A_411, %parallel_loop3A_412, %parallel_loop3A_413] {strides = array<i32>} : memref<2x32x1024xf32, #tpu.memory_space<vmem>>, vector<1x1x16xf32>,
        %parallel_loop3A_415 = vector.shape_cast %parallel_loop3A_414 : vector<1x1x16xf32> to vector<16xf32>
        %parallel_loop3A_416 = vector.broadcast %squeeze3A_95 : f32 to vector<16xf32>
        %parallel_loop3A_417 = arith.mulf %parallel_loop3A_416, %parallel_loop3A_415 : vector<16xf32>
        %parallel_loop3A_418 = arith.addf %parallel_loop3A_406, %parallel_loop3A_417 : vector<16xf32>
        %parallel_loop3A_419 = arith.constant 16 : i32
        %parallel_loop3A_420 = arith.muli %parallel_loop3A_293, %parallel_loop3A_419 : i32
        %parallel_loop3A_421 = arith.constant 0 : i32
        %parallel_loop3A_422 = arith.constant 10 : i32
        %parallel_loop3A_423 = arith.index_cast %parallel_loop3A_421 : i32 to index
        %parallel_loop3A_424 = arith.index_cast %parallel_loop3A_422 : i32 to index
        %parallel_loop3A_425 = arith.index_cast %parallel_loop3A_420 : i32 to index
        %parallel_loop3A_426 = tpu.vector_load %arg10[%parallel_loop3A_423, %parallel_loop3A_424, %parallel_loop3A_425] {strides = array<i32>} : memref<2x32x1024xf32, #tpu.memory_space<vmem>>, vector<1x1x16xf32>,
        %parallel_loop3A_427 = vector.shape_cast %parallel_loop3A_426 : vector<1x1x16xf32> to vector<16xf32>
        %parallel_loop3A_428 = vector.broadcast %squeeze3A_97 : f32 to vector<16xf32>
        %parallel_loop3A_429 = arith.mulf %parallel_loop3A_428, %parallel_loop3A_427 : vector<16xf32>
        %parallel_loop3A_430 = arith.addf %parallel_loop3A_418, %parallel_loop3A_429 : vector<16xf32>
        %parallel_loop3A_431 = arith.constant 16 : i32
        %parallel_loop3A_432 = arith.muli %parallel_loop3A_293, %parallel_loop3A_431 : i32
        %parallel_loop3A_433 = arith.constant 0 : i32
        %parallel_loop3A_434 = arith.constant 11 : i32
        %parallel_loop3A_435 = arith.index_cast %parallel_loop3A_433 : i32 to index
        %parallel_loop3A_436 = arith.index_cast %parallel_loop3A_434 : i32 to index
        %parallel_loop3A_437 = arith.index_cast %parallel_loop3A_432 : i32 to index
        %parallel_loop3A_438 = tpu.vector_load %arg10[%parallel_loop3A_435, %parallel_loop3A_436, %parallel_loop3A_437] {strides = array<i32>} : memref<2x32x1024xf32, #tpu.memory_space<vmem>>, vector<1x1x16xf32>,
        %parallel_loop3A_439 = vector.shape_cast %parallel_loop3A_438 : vector<1x1x16xf32> to vector<16xf32>
        %parallel_loop3A_440 = vector.broadcast %squeeze3A_99 : f32 to vector<16xf32>
        %parallel_loop3A_441 = arith.mulf %parallel_loop3A_440, %parallel_loop3A_439 : vector<16xf32>
        %parallel_loop3A_442 = arith.addf %parallel_loop3A_430, %parallel_loop3A_441 : vector<16xf32>
        %parallel_loop3A_443 = arith.constant 16 : i32
        %parallel_loop3A_444 = arith.muli %parallel_loop3A_293, %parallel_loop3A_443 : i32
        %parallel_loop3A_445 = arith.constant 0 : i32
        %parallel_loop3A_446 = arith.constant 12 : i32
        %parallel_loop3A_447 = arith.index_cast %parallel_loop3A_445 : i32 to index
        %parallel_loop3A_448 = arith.index_cast %parallel_loop3A_446 : i32 to index
        %parallel_loop3A_449 = arith.index_cast %parallel_loop3A_444 : i32 to index
        %parallel_loop3A_450 = tpu.vector_load %arg10[%parallel_loop3A_447, %parallel_loop3A_448, %parallel_loop3A_449] {strides = array<i32>} : memref<2x32x1024xf32, #tpu.memory_space<vmem>>, vector<1x1x16xf32>,
        %parallel_loop3A_451 = vector.shape_cast %parallel_loop3A_450 : vector<1x1x16xf32> to vector<16xf32>
        %parallel_loop3A_452 = vector.broadcast %squeeze3A_101 : f32 to vector<16xf32>
        %parallel_loop3A_453 = arith.mulf %parallel_loop3A_452, %parallel_loop3A_451 : vector<16xf32>
        %parallel_loop3A_454 = arith.addf %parallel_loop3A_442, %parallel_loop3A_453 : vector<16xf32>
        %parallel_loop3A_455 = arith.constant 16 : i32
        %parallel_loop3A_456 = arith.muli %parallel_loop3A_293, %parallel_loop3A_455 : i32
        %parallel_loop3A_457 = arith.constant 0 : i32
        %parallel_loop3A_458 = arith.constant 13 : i32
        %parallel_loop3A_459 = arith.index_cast %parallel_loop3A_457 : i32 to index
        %parallel_loop3A_460 = arith.index_cast %parallel_loop3A_458 : i32 to index
        %parallel_loop3A_461 = arith.index_cast %parallel_loop3A_456 : i32 to index
        %parallel_loop3A_462 = tpu.vector_load %arg10[%parallel_loop3A_459, %parallel_loop3A_460, %parallel_loop3A_461] {strides = array<i32>} : memref<2x32x1024xf32, #tpu.memory_space<vmem>>, vector<1x1x16xf32>,
        %parallel_loop3A_463 = vector.shape_cast %parallel_loop3A_462 : vector<1x1x16xf32> to vector<16xf32>
        %parallel_loop3A_464 = vector.broadcast %squeeze3A_103 : f32 to vector<16xf32>
        %parallel_loop3A_465 = arith.mulf %parallel_loop3A_464, %parallel_loop3A_463 : vector<16xf32>
        %parallel_loop3A_466 = arith.addf %parallel_loop3A_454, %parallel_loop3A_465 : vector<16xf32>
        %parallel_loop3A_467 = arith.constant 16 : i32
        %parallel_loop3A_468 = arith.muli %parallel_loop3A_293, %parallel_loop3A_467 : i32
        %parallel_loop3A_469 = arith.constant 0 : i32
        %parallel_loop3A_470 = arith.constant 14 : i32
        %parallel_loop3A_471 = arith.index_cast %parallel_loop3A_469 : i32 to index
        %parallel_loop3A_472 = arith.index_cast %parallel_loop3A_470 : i32 to index
        %parallel_loop3A_473 = arith.index_cast %parallel_loop3A_468 : i32 to index
        %parallel_loop3A_474 = tpu.vector_load %arg10[%parallel_loop3A_471, %parallel_loop3A_472, %parallel_loop3A_473] {strides = array<i32>} : memref<2x32x1024xf32, #tpu.memory_space<vmem>>, vector<1x1x16xf32>,
        %parallel_loop3A_475 = vector.shape_cast %parallel_loop3A_474 : vector<1x1x16xf32> to vector<16xf32>
        %parallel_loop3A_476 = vector.broadcast %squeeze3A_105 : f32 to vector<16xf32>
        %parallel_loop3A_477 = arith.mulf %parallel_loop3A_476, %parallel_loop3A_475 : vector<16xf32>
        %parallel_loop3A_478 = arith.addf %parallel_loop3A_466, %parallel_loop3A_477 : vector<16xf32>
        %parallel_loop3A_479 = arith.constant 16 : i32
        %parallel_loop3A_480 = arith.muli %parallel_loop3A_293, %parallel_loop3A_479 : i32
        %parallel_loop3A_481 = arith.constant 0 : i32
        %parallel_loop3A_482 = arith.constant 15 : i32
        %parallel_loop3A_483 = arith.index_cast %parallel_loop3A_481 : i32 to index
        %parallel_loop3A_484 = arith.index_cast %parallel_loop3A_482 : i32 to index
        %parallel_loop3A_485 = arith.index_cast %parallel_loop3A_480 : i32 to index
        %parallel_loop3A_486 = tpu.vector_load %arg10[%parallel_loop3A_483, %parallel_loop3A_484, %parallel_loop3A_485] {strides = array<i32>} : memref<2x32x1024xf32, #tpu.memory_space<vmem>>, vector<1x1x16xf32>,
        %parallel_loop3A_487 = vector.shape_cast %parallel_loop3A_486 : vector<1x1x16xf32> to vector<16xf32>
        %parallel_loop3A_488 = vector.broadcast %squeeze3A_107 : f32 to vector<16xf32>
        %parallel_loop3A_489 = arith.mulf %parallel_loop3A_488, %parallel_loop3A_487 : vector<16xf32>
        %parallel_loop3A_490 = arith.addf %parallel_loop3A_478, %parallel_loop3A_489 : vector<16xf32>
        %parallel_loop3A_491 = arith.constant 16 : i32
        %parallel_loop3A_492 = arith.muli %parallel_loop3A_293, %parallel_loop3A_491 : i32
        %parallel_loop3A_493 = arith.constant 0 : i32
        %parallel_loop3A_494 = arith.constant 0 : i32
        %parallel_loop3A_495 = arith.index_cast %parallel_loop3A_493 : i32 to index
        %parallel_loop3A_496 = arith.index_cast %parallel_loop3A_494 : i32 to index
        %parallel_loop3A_497 = arith.index_cast %parallel_loop3A_492 : i32 to index
        %parallel_loop3A_498 = tpu.vector_load %arg11[%parallel_loop3A_495, %parallel_loop3A_496, %parallel_loop3A_497] {strides = array<i32>} : memref<2x2x1024xf32, #tpu.memory_space<vmem>>, vector<1x1x16xf32>,
        %parallel_loop3A_499 = vector.shape_cast %parallel_loop3A_498 : vector<1x1x16xf32> to vector<16xf32>
        %parallel_loop3A_500 = vector.shape_cast %parallel_loop3A_490 : vector<16xf32> to vector<1x1x16xf32>
        tpu.vector_store %arg11[%parallel_loop3A_495, %parallel_loop3A_496, %parallel_loop3A_497], %parallel_loop3A_500 {strides = array<i32>} : memref<2x2x1024xf32, #tpu.memory_space<vmem>>, vector<1x1x16xf32>,
        %parallel_loop3A_501 = arith.constant 16 : i32
        %parallel_loop3A_502 = arith.muli %parallel_loop3A_293, %parallel_loop3A_501 : i32
        %parallel_loop3A_503 = arith.constant 0 : i32
        %parallel_loop3A_504 = arith.constant 16 : i32
        %parallel_loop3A_505 = arith.index_cast %parallel_loop3A_503 : i32 to index
        %parallel_loop3A_506 = arith.index_cast %parallel_loop3A_504 : i32 to index
        %parallel_loop3A_507 = arith.index_cast %parallel_loop3A_502 : i32 to index
        %parallel_loop3A_508 = tpu.vector_load %arg10[%parallel_loop3A_505, %parallel_loop3A_506, %parallel_loop3A_507] {strides = array<i32>} : memref<2x32x1024xf32, #tpu.memory_space<vmem>>, vector<1x1x16xf32>,
        %parallel_loop3A_509 = vector.shape_cast %parallel_loop3A_508 : vector<1x1x16xf32> to vector<16xf32>
        %parallel_loop3A_510 = vector.broadcast %squeeze3A_114 : f32 to vector<16xf32>
        %parallel_loop3A_511 = arith.mulf %parallel_loop3A_510, %parallel_loop3A_509 : vector<16xf32>
        %parallel_loop3A_512 = arith.addf %parallel_loop3A_298, %parallel_loop3A_511 : vector<16xf32>
        %parallel_loop3A_513 = arith.constant 16 : i32
        %parallel_loop3A_514 = arith.muli %parallel_loop3A_293, %parallel_loop3A_513 : i32
        %parallel_loop3A_515 = arith.constant 0 : i32
        %parallel_loop3A_516 = arith.constant 17 : i32
        %parallel_loop3A_517 = arith.index_cast %parallel_loop3A_515 : i32 to index
        %parallel_loop3A_518 = arith.index_cast %parallel_loop3A_516 : i32 to index
        %parallel_loop3A_519 = arith.index_cast %parallel_loop3A_514 : i32 to index
        %parallel_loop3A_520 = tpu.vector_load %arg10[%parallel_loop3A_517, %parallel_loop3A_518, %parallel_loop3A_519] {strides = array<i32>} : memref<2x32x1024xf32, #tpu.memory_space<vmem>>, vector<1x1x16xf32>,
        %parallel_loop3A_521 = vector.shape_cast %parallel_loop3A_520 : vector<1x1x16xf32> to vector<16xf32>
        %parallel_loop3A_522 = vector.broadcast %squeeze3A_116 : f32 to vector<16xf32>
        %parallel_loop3A_523 = arith.mulf %parallel_loop3A_522, %parallel_loop3A_521 : vector<16xf32>
        %parallel_loop3A_524 = arith.addf %parallel_loop3A_512, %parallel_loop3A_523 : vector<16xf32>
        %parallel_loop3A_525 = arith.constant 16 : i32
        %parallel_loop3A_526 = arith.muli %parallel_loop3A_293, %parallel_loop3A_525 : i32
        %parallel_loop3A_527 = arith.constant 0 : i32
        %parallel_loop3A_528 = arith.constant 18 : i32
        %parallel_loop3A_529 = arith.index_cast %parallel_loop3A_527 : i32 to index
        %parallel_loop3A_530 = arith.index_cast %parallel_loop3A_528 : i32 to index
        %parallel_loop3A_531 = arith.index_cast %parallel_loop3A_526 : i32 to index
        %parallel_loop3A_532 = tpu.vector_load %arg10[%parallel_loop3A_529, %parallel_loop3A_530, %parallel_loop3A_531] {strides = array<i32>} : memref<2x32x1024xf32, #tpu.memory_space<vmem>>, vector<1x1x16xf32>,
        %parallel_loop3A_533 = vector.shape_cast %parallel_loop3A_532 : vector<1x1x16xf32> to vector<16xf32>
        %parallel_loop3A_534 = vector.broadcast %squeeze3A_118 : f32 to vector<16xf32>
        %parallel_loop3A_535 = arith.mulf %parallel_loop3A_534, %parallel_loop3A_533 : vector<16xf32>
        %parallel_loop3A_536 = arith.addf %parallel_loop3A_524, %parallel_loop3A_535 : vector<16xf32>
        %parallel_loop3A_537 = arith.constant 16 : i32
        %parallel_loop3A_538 = arith.muli %parallel_loop3A_293, %parallel_loop3A_537 : i32
        %parallel_loop3A_539 = arith.constant 0 : i32
        %parallel_loop3A_540 = arith.constant 19 : i32
        %parallel_loop3A_541 = arith.index_cast %parallel_loop3A_539 : i32 to index
        %parallel_loop3A_542 = arith.index_cast %parallel_loop3A_540 : i32 to index
        %parallel_loop3A_543 = arith.index_cast %parallel_loop3A_538 : i32 to index
        %parallel_loop3A_544 = tpu.vector_load %arg10[%parallel_loop3A_541, %parallel_loop3A_542, %parallel_loop3A_543] {strides = array<i32>} : memref<2x32x1024xf32, #tpu.memory_space<vmem>>, vector<1x1x16xf32>,
        %parallel_loop3A_545 = vector.shape_cast %parallel_loop3A_544 : vector<1x1x16xf32> to vector<16xf32>
        %parallel_loop3A_546 = vector.broadcast %squeeze3A_120 : f32 to vector<16xf32>
        %parallel_loop3A_547 = arith.mulf %parallel_loop3A_546, %parallel_loop3A_545 : vector<16xf32>
        %parallel_loop3A_548 = arith.addf %parallel_loop3A_536, %parallel_loop3A_547 : vector<16xf32>
        %parallel_loop3A_549 = arith.constant 16 : i32
        %parallel_loop3A_550 = arith.muli %parallel_loop3A_293, %parallel_loop3A_549 : i32
        %parallel_loop3A_551 = arith.constant 0 : i32
        %parallel_loop3A_552 = arith.constant 20 : i32
        %parallel_loop3A_553 = arith.index_cast %parallel_loop3A_551 : i32 to index
        %parallel_loop3A_554 = arith.index_cast %parallel_loop3A_552 : i32 to index
        %parallel_loop3A_555 = arith.index_cast %parallel_loop3A_550 : i32 to index
        %parallel_loop3A_556 = tpu.vector_load %arg10[%parallel_loop3A_553, %parallel_loop3A_554, %parallel_loop3A_555] {strides = array<i32>} : memref<2x32x1024xf32, #tpu.memory_space<vmem>>, vector<1x1x16xf32>,
        %parallel_loop3A_557 = vector.shape_cast %parallel_loop3A_556 : vector<1x1x16xf32> to vector<16xf32>
        %parallel_loop3A_558 = vector.broadcast %squeeze3A_122 : f32 to vector<16xf32>
        %parallel_loop3A_559 = arith.mulf %parallel_loop3A_558, %parallel_loop3A_557 : vector<16xf32>
        %parallel_loop3A_560 = arith.addf %parallel_loop3A_548, %parallel_loop3A_559 : vector<16xf32>
        %parallel_loop3A_561 = arith.constant 16 : i32
        %parallel_loop3A_562 = arith.muli %parallel_loop3A_293, %parallel_loop3A_561 : i32
        %parallel_loop3A_563 = arith.constant 0 : i32
        %parallel_loop3A_564 = arith.constant 21 : i32
        %parallel_loop3A_565 = arith.index_cast %parallel_loop3A_563 : i32 to index
        %parallel_loop3A_566 = arith.index_cast %parallel_loop3A_564 : i32 to index
        %parallel_loop3A_567 = arith.index_cast %parallel_loop3A_562 : i32 to index
        %parallel_loop3A_568 = tpu.vector_load %arg10[%parallel_loop3A_565, %parallel_loop3A_566, %parallel_loop3A_567] {strides = array<i32>} : memref<2x32x1024xf32, #tpu.memory_space<vmem>>, vector<1x1x16xf32>,
        %parallel_loop3A_569 = vector.shape_cast %parallel_loop3A_568 : vector<1x1x16xf32> to vector<16xf32>
        %parallel_loop3A_570 = vector.broadcast %squeeze3A_124 : f32 to vector<16xf32>
        %parallel_loop3A_571 = arith.mulf %parallel_loop3A_570, %parallel_loop3A_569 : vector<16xf32>
        %parallel_loop3A_572 = arith.addf %parallel_loop3A_560, %parallel_loop3A_571 : vector<16xf32>
        %parallel_loop3A_573 = arith.constant 16 : i32
        %parallel_loop3A_574 = arith.muli %parallel_loop3A_293, %parallel_loop3A_573 : i32
        %parallel_loop3A_575 = arith.constant 0 : i32
        %parallel_loop3A_576 = arith.constant 22 : i32
        %parallel_loop3A_577 = arith.index_cast %parallel_loop3A_575 : i32 to index
        %parallel_loop3A_578 = arith.index_cast %parallel_loop3A_576 : i32 to index
        %parallel_loop3A_579 = arith.index_cast %parallel_loop3A_574 : i32 to index
        %parallel_loop3A_580 = tpu.vector_load %arg10[%parallel_loop3A_577, %parallel_loop3A_578, %parallel_loop3A_579] {strides = array<i32>} : memref<2x32x1024xf32, #tpu.memory_space<vmem>>, vector<1x1x16xf32>,
        %parallel_loop3A_581 = vector.shape_cast %parallel_loop3A_580 : vector<1x1x16xf32> to vector<16xf32>
        %parallel_loop3A_582 = vector.broadcast %squeeze3A_126 : f32 to vector<16xf32>
        %parallel_loop3A_583 = arith.mulf %parallel_loop3A_582, %parallel_loop3A_581 : vector<16xf32>
        %parallel_loop3A_584 = arith.addf %parallel_loop3A_572, %parallel_loop3A_583 : vector<16xf32>
        %parallel_loop3A_585 = arith.constant 16 : i32
        %parallel_loop3A_586 = arith.muli %parallel_loop3A_293, %parallel_loop3A_585 : i32
        %parallel_loop3A_587 = arith.constant 0 : i32
        %parallel_loop3A_588 = arith.constant 23 : i32
        %parallel_loop3A_589 = arith.index_cast %parallel_loop3A_587 : i32 to index
        %parallel_loop3A_590 = arith.index_cast %parallel_loop3A_588 : i32 to index
        %parallel_loop3A_591 = arith.index_cast %parallel_loop3A_586 : i32 to index
        %parallel_loop3A_592 = tpu.vector_load %arg10[%parallel_loop3A_589, %parallel_loop3A_590, %parallel_loop3A_591] {strides = array<i32>} : memref<2x32x1024xf32, #tpu.memory_space<vmem>>, vector<1x1x16xf32>,
        %parallel_loop3A_593 = vector.shape_cast %parallel_loop3A_592 : vector<1x1x16xf32> to vector<16xf32>
        %parallel_loop3A_594 = vector.broadcast %squeeze3A_128 : f32 to vector<16xf32>
        %parallel_loop3A_595 = arith.mulf %parallel_loop3A_594, %parallel_loop3A_593 : vector<16xf32>
        %parallel_loop3A_596 = arith.addf %parallel_loop3A_584, %parallel_loop3A_595 : vector<16xf32>
        %parallel_loop3A_597 = arith.constant 16 : i32
        %parallel_loop3A_598 = arith.muli %parallel_loop3A_293, %parallel_loop3A_597 : i32
        %parallel_loop3A_599 = arith.constant 0 : i32
        %parallel_loop3A_600 = arith.constant 24 : i32
        %parallel_loop3A_601 = arith.index_cast %parallel_loop3A_599 : i32 to index
        %parallel_loop3A_602 = arith.index_cast %parallel_loop3A_600 : i32 to index
        %parallel_loop3A_603 = arith.index_cast %parallel_loop3A_598 : i32 to index
        %parallel_loop3A_604 = tpu.vector_load %arg10[%parallel_loop3A_601, %parallel_loop3A_602, %parallel_loop3A_603] {strides = array<i32>} : memref<2x32x1024xf32, #tpu.memory_space<vmem>>, vector<1x1x16xf32>,
        %parallel_loop3A_605 = vector.shape_cast %parallel_loop3A_604 : vector<1x1x16xf32> to vector<16xf32>
        %parallel_loop3A_606 = vector.broadcast %squeeze3A_130 : f32 to vector<16xf32>
        %parallel_loop3A_607 = arith.mulf %parallel_loop3A_606, %parallel_loop3A_605 : vector<16xf32>
        %parallel_loop3A_608 = arith.addf %parallel_loop3A_596, %parallel_loop3A_607 : vector<16xf32>
        %parallel_loop3A_609 = arith.constant 16 : i32
        %parallel_loop3A_610 = arith.muli %parallel_loop3A_293, %parallel_loop3A_609 : i32
        %parallel_loop3A_611 = arith.constant 0 : i32
        %parallel_loop3A_612 = arith.constant 25 : i32
        %parallel_loop3A_613 = arith.index_cast %parallel_loop3A_611 : i32 to index
        %parallel_loop3A_614 = arith.index_cast %parallel_loop3A_612 : i32 to index
        %parallel_loop3A_615 = arith.index_cast %parallel_loop3A_610 : i32 to index
        %parallel_loop3A_616 = tpu.vector_load %arg10[%parallel_loop3A_613, %parallel_loop3A_614, %parallel_loop3A_615] {strides = array<i32>} : memref<2x32x1024xf32, #tpu.memory_space<vmem>>, vector<1x1x16xf32>,
        %parallel_loop3A_617 = vector.shape_cast %parallel_loop3A_616 : vector<1x1x16xf32> to vector<16xf32>
        %parallel_loop3A_618 = vector.broadcast %squeeze3A_132 : f32 to vector<16xf32>
        %parallel_loop3A_619 = arith.mulf %parallel_loop3A_618, %parallel_loop3A_617 : vector<16xf32>
        %parallel_loop3A_620 = arith.addf %parallel_loop3A_608, %parallel_loop3A_619 : vector<16xf32>
        %parallel_loop3A_621 = arith.constant 16 : i32
        %parallel_loop3A_622 = arith.muli %parallel_loop3A_293, %parallel_loop3A_621 : i32
        %parallel_loop3A_623 = arith.constant 0 : i32
        %parallel_loop3A_624 = arith.constant 26 : i32
        %parallel_loop3A_625 = arith.index_cast %parallel_loop3A_623 : i32 to index
        %parallel_loop3A_626 = arith.index_cast %parallel_loop3A_624 : i32 to index
        %parallel_loop3A_627 = arith.index_cast %parallel_loop3A_622 : i32 to index
        %parallel_loop3A_628 = tpu.vector_load %arg10[%parallel_loop3A_625, %parallel_loop3A_626, %parallel_loop3A_627] {strides = array<i32>} : memref<2x32x1024xf32, #tpu.memory_space<vmem>>, vector<1x1x16xf32>,
        %parallel_loop3A_629 = vector.shape_cast %parallel_loop3A_628 : vector<1x1x16xf32> to vector<16xf32>
        %parallel_loop3A_630 = vector.broadcast %squeeze3A_134 : f32 to vector<16xf32>
        %parallel_loop3A_631 = arith.mulf %parallel_loop3A_630, %parallel_loop3A_629 : vector<16xf32>
        %parallel_loop3A_632 = arith.addf %parallel_loop3A_620, %parallel_loop3A_631 : vector<16xf32>
        %parallel_loop3A_633 = arith.constant 16 : i32
        %parallel_loop3A_634 = arith.muli %parallel_loop3A_293, %parallel_loop3A_633 : i32
        %parallel_loop3A_635 = arith.constant 0 : i32
        %parallel_loop3A_636 = arith.constant 27 : i32
        %parallel_loop3A_637 = arith.index_cast %parallel_loop3A_635 : i32 to index
        %parallel_loop3A_638 = arith.index_cast %parallel_loop3A_636 : i32 to index
        %parallel_loop3A_639 = arith.index_cast %parallel_loop3A_634 : i32 to index
        %parallel_loop3A_640 = tpu.vector_load %arg10[%parallel_loop3A_637, %parallel_loop3A_638, %parallel_loop3A_639] {strides = array<i32>} : memref<2x32x1024xf32, #tpu.memory_space<vmem>>, vector<1x1x16xf32>,
        %parallel_loop3A_641 = vector.shape_cast %parallel_loop3A_640 : vector<1x1x16xf32> to vector<16xf32>
        %parallel_loop3A_642 = vector.broadcast %squeeze3A_136 : f32 to vector<16xf32>
        %parallel_loop3A_643 = arith.mulf %parallel_loop3A_642, %parallel_loop3A_641 : vector<16xf32>
        %parallel_loop3A_644 = arith.addf %parallel_loop3A_632, %parallel_loop3A_643 : vector<16xf32>
        %parallel_loop3A_645 = arith.constant 16 : i32
        %parallel_loop3A_646 = arith.muli %parallel_loop3A_293, %parallel_loop3A_645 : i32
        %parallel_loop3A_647 = arith.constant 0 : i32
        %parallel_loop3A_648 = arith.constant 28 : i32
        %parallel_loop3A_649 = arith.index_cast %parallel_loop3A_647 : i32 to index
        %parallel_loop3A_650 = arith.index_cast %parallel_loop3A_648 : i32 to index
        %parallel_loop3A_651 = arith.index_cast %parallel_loop3A_646 : i32 to index
        %parallel_loop3A_652 = tpu.vector_load %arg10[%parallel_loop3A_649, %parallel_loop3A_650, %parallel_loop3A_651] {strides = array<i32>} : memref<2x32x1024xf32, #tpu.memory_space<vmem>>, vector<1x1x16xf32>,
        %parallel_loop3A_653 = vector.shape_cast %parallel_loop3A_652 : vector<1x1x16xf32> to vector<16xf32>
        %parallel_loop3A_654 = vector.broadcast %squeeze3A_138 : f32 to vector<16xf32>
        %parallel_loop3A_655 = arith.mulf %parallel_loop3A_654, %parallel_loop3A_653 : vector<16xf32>
        %parallel_loop3A_656 = arith.addf %parallel_loop3A_644, %parallel_loop3A_655 : vector<16xf32>
        %parallel_loop3A_657 = arith.constant 16 : i32
        %parallel_loop3A_658 = arith.muli %parallel_loop3A_293, %parallel_loop3A_657 : i32
        %parallel_loop3A_659 = arith.constant 0 : i32
        %parallel_loop3A_660 = arith.constant 29 : i32
        %parallel_loop3A_661 = arith.index_cast %parallel_loop3A_659 : i32 to index
        %parallel_loop3A_662 = arith.index_cast %parallel_loop3A_660 : i32 to index
        %parallel_loop3A_663 = arith.index_cast %parallel_loop3A_658 : i32 to index
        %parallel_loop3A_664 = tpu.vector_load %arg10[%parallel_loop3A_661, %parallel_loop3A_662, %parallel_loop3A_663] {strides = array<i32>} : memref<2x32x1024xf32, #tpu.memory_space<vmem>>, vector<1x1x16xf32>,
        %parallel_loop3A_665 = vector.shape_cast %parallel_loop3A_664 : vector<1x1x16xf32> to vector<16xf32>
        %parallel_loop3A_666 = vector.broadcast %squeeze3A_140 : f32 to vector<16xf32>
        %parallel_loop3A_667 = arith.mulf %parallel_loop3A_666, %parallel_loop3A_665 : vector<16xf32>
        %parallel_loop3A_668 = arith.addf %parallel_loop3A_656, %parallel_loop3A_667 : vector<16xf32>
        %parallel_loop3A_669 = arith.constant 16 : i32
        %parallel_loop3A_670 = arith.muli %parallel_loop3A_293, %parallel_loop3A_669 : i32
        %parallel_loop3A_671 = arith.constant 0 : i32
        %parallel_loop3A_672 = arith.constant 30 : i32
        %parallel_loop3A_673 = arith.index_cast %parallel_loop3A_671 : i32 to index
        %parallel_loop3A_674 = arith.index_cast %parallel_loop3A_672 : i32 to index
        %parallel_loop3A_675 = arith.index_cast %parallel_loop3A_670 : i32 to index
        %parallel_loop3A_676 = tpu.vector_load %arg10[%parallel_loop3A_673, %parallel_loop3A_674, %parallel_loop3A_675] {strides = array<i32>} : memref<2x32x1024xf32, #tpu.memory_space<vmem>>, vector<1x1x16xf32>,
        %parallel_loop3A_677 = vector.shape_cast %parallel_loop3A_676 : vector<1x1x16xf32> to vector<16xf32>
        %parallel_loop3A_678 = vector.broadcast %squeeze3A_142 : f32 to vector<16xf32>
        %parallel_loop3A_679 = arith.mulf %parallel_loop3A_678, %parallel_loop3A_677 : vector<16xf32>
        %parallel_loop3A_680 = arith.addf %parallel_loop3A_668, %parallel_loop3A_679 : vector<16xf32>
        %parallel_loop3A_681 = arith.constant 16 : i32
        %parallel_loop3A_682 = arith.muli %parallel_loop3A_293, %parallel_loop3A_681 : i32
        %parallel_loop3A_683 = arith.constant 0 : i32
        %parallel_loop3A_684 = arith.constant 31 : i32
        %parallel_loop3A_685 = arith.index_cast %parallel_loop3A_683 : i32 to index
        %parallel_loop3A_686 = arith.index_cast %parallel_loop3A_684 : i32 to index
        %parallel_loop3A_687 = arith.index_cast %parallel_loop3A_682 : i32 to index
        %parallel_loop3A_688 = tpu.vector_load %arg10[%parallel_loop3A_685, %parallel_loop3A_686, %parallel_loop3A_687] {strides = array<i32>} : memref<2x32x1024xf32, #tpu.memory_space<vmem>>, vector<1x1x16xf32>,
        %parallel_loop3A_689 = vector.shape_cast %parallel_loop3A_688 : vector<1x1x16xf32> to vector<16xf32>
        %parallel_loop3A_690 = vector.broadcast %squeeze3A_144 : f32 to vector<16xf32>
        %parallel_loop3A_691 = arith.mulf %parallel_loop3A_690, %parallel_loop3A_689 : vector<16xf32>
        %parallel_loop3A_692 = arith.addf %parallel_loop3A_680, %parallel_loop3A_691 : vector<16xf32>
        %parallel_loop3A_693 = arith.constant 16 : i32
        %parallel_loop3A_694 = arith.muli %parallel_loop3A_293, %parallel_loop3A_693 : i32
        %parallel_loop3A_695 = arith.constant 0 : i32
        %parallel_loop3A_696 = arith.constant 1 : i32
        %parallel_loop3A_697 = arith.index_cast %parallel_loop3A_695 : i32 to index
        %parallel_loop3A_698 = arith.index_cast %parallel_loop3A_696 : i32 to index
        %parallel_loop3A_699 = arith.index_cast %parallel_loop3A_694 : i32 to index
        %parallel_loop3A_700 = tpu.vector_load %arg11[%parallel_loop3A_697, %parallel_loop3A_698, %parallel_loop3A_699] {strides = array<i32>} : memref<2x2x1024xf32, #tpu.memory_space<vmem>>, vector<1x1x16xf32>,
        %parallel_loop3A_701 = vector.shape_cast %parallel_loop3A_700 : vector<1x1x16xf32> to vector<16xf32>
        %parallel_loop3A_702 = vector.shape_cast %parallel_loop3A_692 : vector<16xf32> to vector<1x1x16xf32>
        tpu.vector_store %arg11[%parallel_loop3A_697, %parallel_loop3A_698, %parallel_loop3A_699], %parallel_loop3A_702 {strides = array<i32>} : memref<2x2x1024xf32, #tpu.memory_space<vmem>>, vector<1x1x16xf32>,
      } {sc.loop_unroll_factor = 3 : i64, sc.parallel_access}
      %mul3A_160 = arith.constant 2 : i32
      %mul3A_161 = arith.muli %mul3A_58, %mul3A_160 : i32
      %add3A_162 = arith.addi %mul3A_2, %mul3A_161 : i32
      %dma_start3A_163 = arith.constant 0 : i32
      %dma_start3A_164 = arith.constant 0 : i32
      %dma_start3A_165 = arith.constant 0 : i32
      %dma_start3A_166 = tpu.memref_slice %arg11[%dma_start3A_163, %dma_start3A_164, %dma_start3A_165] : memref<2x2x1024xf32, #tpu.memory_space<vmem>> -> memref<1x2x1024xf32, #tpu.memory_space<vmem>>
      %dma_start3A_167 = tpu.memref_squeeze %dma_start3A_166 : memref<1x2x1024xf32, #tpu.memory_space<vmem>> -> memref<2x1024xf32, #tpu.memory_space<vmem>>
      %dma_start3A_168 = arith.constant 0 : i32
      %dma_start3A_169 = tpu.memref_slice %arg6[%add3A_162, %dma_start3A_168] : memref<4096x1024xf32, #tpu.memory_space<hbm>> -> memref<2x1024xf32, #tpu.memory_space<hbm>>
      %dma_start3A_170 = arith.constant 0 : i32
      %dma_start3A_171 = tpu.memref_slice %arg6[%add3A_162, %dma_start3A_170] : memref<4096x1024xf32, #tpu.memory_space<hbm>> -> memref<2x1024xf32, #tpu.memory_space<hbm>>
      %dma_start3A_172 = arith.constant 0 : i32
      %dma_start3A_173 = arith.constant 0 : i32
      %dma_start3A_174 = tpu.memref_slice %arg11[%dma_start3A_163, %dma_start3A_172, %dma_start3A_173] : memref<2x2x1024xf32, #tpu.memory_space<vmem>> -> memref<1x2x1024xf32, #tpu.memory_space<vmem>>
      %dma_start3A_175 = tpu.memref_squeeze %dma_start3A_174 : memref<1x2x1024xf32, #tpu.memory_space<vmem>> -> memref<2x1024xf32, #tpu.memory_space<vmem>>
      tpu.enqueue_dma source(%dma_start3A_175 : memref<2x1024xf32, #tpu.memory_space<vmem>>) target(%dma_start3A_171 : memref<2x1024xf32, #tpu.memory_space<hbm>>) target_semaphore(%arg14 : memref<!tpu.dma_semaphore, #tpu.memory_space<semaphore_mem>>)
      %lt3A = arith.constant 31 : i32
      %lt3A_176 = arith.cmpi slt, %scan3A_56, %lt3A : i32
      %convert_element_type3A_177 = arith.extui %lt3A_176 : i1 to i32
      %cond3A_178 = arith.constant 0 : i32
      %cond3A_179 = arith.cmpi ne, %convert_element_type3A_177, %cond3A_178 : i32
      scf.if %cond3A_179 {
        %add3A_293 = arith.constant 2 : i32
        %add3A_294 = arith.addi %mul3A_58, %add3A_293 : i32
        %mul3A_295 = arith.constant 32 : i32
        %mul3A_296 = arith.muli %add3A_294, %mul3A_295 : i32
        %dma_start3A_297 = arith.constant 0 : i32
        %dma_start3A_298 = arith.constant 0 : i32
        %dma_start3A_299 = arith.constant 0 : i32
        %dma_start3A_300 = tpu.memref_slice %arg10[%dma_start3A_297, %dma_start3A_298, %dma_start3A_299] : memref<2x32x1024xf32, #tpu.memory_space<vmem>> -> memref<1x32x1024xf32, #tpu.memory_space<vmem>>
        %dma_start3A_301 = tpu.memref_squeeze %dma_start3A_300 : memref<1x32x1024xf32, #tpu.memory_space<vmem>> -> memref<32x1024xf32, #tpu.memory_space<vmem>>
        %dma_start3A_302 = tpu.memref_slice %arg8[%mul3A_296] : memref<2048xi32, #tpu.memory_space<vmem>> -> memref<32xi32, #tpu.memory_space<vmem>>
        %dma_start3A_303 = arith.constant 0 : i32
        %dma_start3A_304 = arith.constant 0 : i32
        %dma_start3A_305 = tpu.memref_slice %arg4[%dma_start3A_303, %dma_start3A_304] : memref<131072x1024xf32, #tpu.memory_space<hbm>> -> memref<131072x1024xf32, #tpu.memory_space<hbm>>
        tpu.enqueue_indirect_dma source(%dma_start3A_305 : memref<131072x1024xf32, #tpu.memory_space<hbm>>) target(%dma_start3A_301 : memref<32x1024xf32, #tpu.memory_space<vmem>>) offsets(%dma_start3A_302 : memref<32xi32, #tpu.memory_space<vmem>>) semaphore(%arg12 : memref<!tpu.dma_semaphore, #tpu.memory_space<semaphore_mem>>)
      } else {
      }
      %add3A_180 = arith.constant 1 : i32
      %add3A_181 = arith.addi %mul3A_58, %add3A_180 : i32
      %mul3A_182 = arith.constant 32 : i32
      %mul3A_183 = arith.muli %add3A_181, %mul3A_182 : i32
      %add3A_184 = arith.constant 0 : i32
      %add3A_185 = arith.addi %mul3A_183, %add3A_184 : i32
      %get3A_186 = arith.index_cast %add3A_185 : i32 to index
      %get3A_187 = tpu.vector_load %arg7[%get3A_186] {strides = array<i32>} : memref<2048xf32, #tpu.memory_space<vmem>>, vector<16xf32>,
      %get3A_188 = vector.shape_cast %get3A_187 : vector<16xf32> to vector<16xf32>
      %slice3A_189 = vector.extract_strided_slice %get3A_188 {offsets = [0], sizes = [1], strides = [1]} : vector<16xf32> to vector<1xf32>
      %squeeze3A_190 = vector.extract %slice3A_189[0] : f32 from vector<1xf32>
      %slice3A_191 = vector.extract_strided_slice %get3A_188 {offsets = [1], sizes = [1], strides = [1]} : vector<16xf32> to vector<1xf32>
      %squeeze3A_192 = vector.extract %slice3A_191[0] : f32 from vector<1xf32>
      %slice3A_193 = vector.extract_strided_slice %get3A_188 {offsets = [2], sizes = [1], strides = [1]} : vector<16xf32> to vector<1xf32>
      %squeeze3A_194 = vector.extract %slice3A_193[0] : f32 from vector<1xf32>
      %slice3A_195 = vector.extract_strided_slice %get3A_188 {offsets = [3], sizes = [1], strides = [1]} : vector<16xf32> to vector<1xf32>
      %squeeze3A_196 = vector.extract %slice3A_195[0] : f32 from vector<1xf32>
      %slice3A_197 = vector.extract_strided_slice %get3A_188 {offsets = [4], sizes = [1], strides = [1]} : vector<16xf32> to vector<1xf32>
      %squeeze3A_198 = vector.extract %slice3A_197[0] : f32 from vector<1xf32>
      %slice3A_199 = vector.extract_strided_slice %get3A_188 {offsets = [5], sizes = [1], strides = [1]} : vector<16xf32> to vector<1xf32>
      %squeeze3A_200 = vector.extract %slice3A_199[0] : f32 from vector<1xf32>
      %slice3A_201 = vector.extract_strided_slice %get3A_188 {offsets = [6], sizes = [1], strides = [1]} : vector<16xf32> to vector<1xf32>
      %squeeze3A_202 = vector.extract %slice3A_201[0] : f32 from vector<1xf32>
      %slice3A_203 = vector.extract_strided_slice %get3A_188 {offsets = [7], sizes = [1], strides = [1]} : vector<16xf32> to vector<1xf32>
      %squeeze3A_204 = vector.extract %slice3A_203[0] : f32 from vector<1xf32>
      %slice3A_205 = vector.extract_strided_slice %get3A_188 {offsets = [8], sizes = [1], strides = [1]} : vector<16xf32> to vector<1xf32>
      %squeeze3A_206 = vector.extract %slice3A_205[0] : f32 from vector<1xf32>
      %slice3A_207 = vector.extract_strided_slice %get3A_188 {offsets = [9], sizes = [1], strides = [1]} : vector<16xf32> to vector<1xf32>
      %squeeze3A_208 = vector.extract %slice3A_207[0] : f32 from vector<1xf32>
      %slice3A_209 = vector.extract_strided_slice %get3A_188 {offsets = [10], sizes = [1], strides = [1]} : vector<16xf32> to vector<1xf32>
      %squeeze3A_210 = vector.extract %slice3A_209[0] : f32 from vector<1xf32>
      %slice3A_211 = vector.extract_strided_slice %get3A_188 {offsets = [11], sizes = [1], strides = [1]} : vector<16xf32> to vector<1xf32>
      %squeeze3A_212 = vector.extract %slice3A_211[0] : f32 from vector<1xf32>
      %slice3A_213 = vector.extract_strided_slice %get3A_188 {offsets = [12], sizes = [1], strides = [1]} : vector<16xf32> to vector<1xf32>
      %squeeze3A_214 = vector.extract %slice3A_213[0] : f32 from vector<1xf32>
      %slice3A_215 = vector.extract_strided_slice %get3A_188 {offsets = [13], sizes = [1], strides = [1]} : vector<16xf32> to vector<1xf32>
      %squeeze3A_216 = vector.extract %slice3A_215[0] : f32 from vector<1xf32>
      %slice3A_217 = vector.extract_strided_slice %get3A_188 {offsets = [14], sizes = [1], strides = [1]} : vector<16xf32> to vector<1xf32>
      %squeeze3A_218 = vector.extract %slice3A_217[0] : f32 from vector<1xf32>
      %slice3A_219 = vector.extract_strided_slice %get3A_188 {offsets = [15], sizes = [1], strides = [1]} : vector<16xf32> to vector<1xf32>
      %squeeze3A_220 = vector.extract %slice3A_219[0] : f32 from vector<1xf32>
      %add3A_221 = arith.constant 16 : i32
      %add3A_222 = arith.addi %mul3A_183, %add3A_221 : i32
      %get3A_223 = arith.index_cast %add3A_222 : i32 to index
      %get3A_224 = tpu.vector_load %arg7[%get3A_223] {strides = array<i32>} : memref<2048xf32, #tpu.memory_space<vmem>>, vector<16xf32>,
      %get3A_225 = vector.shape_cast %get3A_224 : vector<16xf32> to vector<16xf32>
      %slice3A_226 = vector.extract_strided_slice %get3A_225 {offsets = [0], sizes = [1], strides = [1]} : vector<16xf32> to vector<1xf32>
      %squeeze3A_227 = vector.extract %slice3A_226[0] : f32 from vector<1xf32>
      %slice3A_228 = vector.extract_strided_slice %get3A_225 {offsets = [1], sizes = [1], strides = [1]} : vector<16xf32> to vector<1xf32>
      %squeeze3A_229 = vector.extract %slice3A_228[0] : f32 from vector<1xf32>
      %slice3A_230 = vector.extract_strided_slice %get3A_225 {offsets = [2], sizes = [1], strides = [1]} : vector<16xf32> to vector<1xf32>
      %squeeze3A_231 = vector.extract %slice3A_230[0] : f32 from vector<1xf32>
      %slice3A_232 = vector.extract_strided_slice %get3A_225 {offsets = [3], sizes = [1], strides = [1]} : vector<16xf32> to vector<1xf32>
      %squeeze3A_233 = vector.extract %slice3A_232[0] : f32 from vector<1xf32>
      %slice3A_234 = vector.extract_strided_slice %get3A_225 {offsets = [4], sizes = [1], strides = [1]} : vector<16xf32> to vector<1xf32>
      %squeeze3A_235 = vector.extract %slice3A_234[0] : f32 from vector<1xf32>
      %slice3A_236 = vector.extract_strided_slice %get3A_225 {offsets = [5], sizes = [1], strides = [1]} : vector<16xf32> to vector<1xf32>
      %squeeze3A_237 = vector.extract %slice3A_236[0] : f32 from vector<1xf32>
      %slice3A_238 = vector.extract_strided_slice %get3A_225 {offsets = [6], sizes = [1], strides = [1]} : vector<16xf32> to vector<1xf32>
      %squeeze3A_239 = vector.extract %slice3A_238[0] : f32 from vector<1xf32>
      %slice3A_240 = vector.extract_strided_slice %get3A_225 {offsets = [7], sizes = [1], strides = [1]} : vector<16xf32> to vector<1xf32>
      %squeeze3A_241 = vector.extract %slice3A_240[0] : f32 from vector<1xf32>
      %slice3A_242 = vector.extract_strided_slice %get3A_225 {offsets = [8], sizes = [1], strides = [1]} : vector<16xf32> to vector<1xf32>
      %squeeze3A_243 = vector.extract %slice3A_242[0] : f32 from vector<1xf32>
      %slice3A_244 = vector.extract_strided_slice %get3A_225 {offsets = [9], sizes = [1], strides = [1]} : vector<16xf32> to vector<1xf32>
      %squeeze3A_245 = vector.extract %slice3A_244[0] : f32 from vector<1xf32>
      %slice3A_246 = vector.extract_strided_slice %get3A_225 {offsets = [10], sizes = [1], strides = [1]} : vector<16xf32> to vector<1xf32>
      %squeeze3A_247 = vector.extract %slice3A_246[0] : f32 from vector<1xf32>
      %slice3A_248 = vector.extract_strided_slice %get3A_225 {offsets = [11], sizes = [1], strides = [1]} : vector<16xf32> to vector<1xf32>
      %squeeze3A_249 = vector.extract %slice3A_248[0] : f32 from vector<1xf32>
      %slice3A_250 = vector.extract_strided_slice %get3A_225 {offsets = [12], sizes = [1], strides = [1]} : vector<16xf32> to vector<1xf32>
      %squeeze3A_251 = vector.extract %slice3A_250[0] : f32 from vector<1xf32>
      %slice3A_252 = vector.extract_strided_slice %get3A_225 {offsets = [13], sizes = [1], strides = [1]} : vector<16xf32> to vector<1xf32>
      %squeeze3A_253 = vector.extract %slice3A_252[0] : f32 from vector<1xf32>
      %slice3A_254 = vector.extract_strided_slice %get3A_225 {offsets = [14], sizes = [1], strides = [1]} : vector<16xf32> to vector<1xf32>
      %squeeze3A_255 = vector.extract %slice3A_254[0] : f32 from vector<1xf32>
      %slice3A_256 = vector.extract_strided_slice %get3A_225 {offsets = [15], sizes = [1], strides = [1]} : vector<16xf32> to vector<1xf32>
      %squeeze3A_257 = vector.extract %slice3A_256[0] : f32 from vector<1xf32>
      %mul3A_258 = arith.constant 32 : i32
      %mul3A_259 = arith.muli %add3A_181, %mul3A_258 : i32
      %dma_wait3A_260 = arith.constant 1 : i32
      %dma_wait3A_261 = arith.constant 0 : i32
      %dma_wait3A_262 = arith.constant 0 : i32
      %dma_wait3A_263 = tpu.memref_slice %arg10[%dma_wait3A_260, %dma_wait3A_261, %dma_wait3A_262] : memref<2x32x1024xf32, #tpu.memory_space<vmem>> -> memref<1x32x1024xf32, #tpu.memory_space<vmem>>
      %dma_wait3A_264 = tpu.memref_squeeze %dma_wait3A_263 : memref<1x32x1024xf32, #tpu.memory_space<vmem>> -> memref<32x1024xf32, #tpu.memory_space<vmem>>
      %dma_wait3A_265 = tpu.memref_slice %arg8[%mul3A_259] : memref<2048xi32, #tpu.memory_space<vmem>> -> memref<32xi32, #tpu.memory_space<vmem>>
      %dma_wait3A_266 = arith.constant 0 : i32
      %dma_wait3A_267 = arith.constant 0 : i32
      %dma_wait3A_268 = tpu.memref_slice %arg4[%dma_wait3A_266, %dma_wait3A_267] : memref<131072x1024xf32, #tpu.memory_space<hbm>> -> memref<131072x1024xf32, #tpu.memory_space<hbm>>
      tpu.wait_indirect_dma semaphore(%arg13 : memref<!tpu.dma_semaphore, #tpu.memory_space<semaphore_mem>>) src(%dma_wait3A_268 : memref<131072x1024xf32, #tpu.memory_space<hbm>>) dst(%dma_wait3A_264 : memref<32x1024xf32, #tpu.memory_space<vmem>>)
      %gt3A_269 = arith.constant 0 : i32
      %gt3A_270 = arith.cmpi sgt, %scan3A_56, %gt3A_269 : i32
      %convert_element_type3A_271 = arith.extui %gt3A_270 : i1 to i32
      %cond3A_272 = arith.constant 0 : i32
      %cond3A_273 = arith.cmpi ne, %convert_element_type3A_271, %cond3A_272 : i32
      scf.if %cond3A_273 {
        %mul3A_293 = arith.constant 2 : i32
        %mul3A_294 = arith.muli %add3A_181, %mul3A_293 : i32
        %add3A_295 = arith.addi %mul3A_2, %mul3A_294 : i32
        %dma_wait3A_296 = arith.constant 1 : i32
        %dma_wait3A_297 = arith.constant 0 : i32
        %dma_wait3A_298 = arith.constant 0 : i32
        %dma_wait3A_299 = tpu.memref_slice %arg11[%dma_wait3A_296, %dma_wait3A_297, %dma_wait3A_298] : memref<2x2x1024xf32, #tpu.memory_space<vmem>> -> memref<1x2x1024xf32, #tpu.memory_space<vmem>>
        %dma_wait3A_300 = tpu.memref_squeeze %dma_wait3A_299 : memref<1x2x1024xf32, #tpu.memory_space<vmem>> -> memref<2x1024xf32, #tpu.memory_space<vmem>>
        %dma_wait3A_301 = arith.constant 0 : i32
        %dma_wait3A_302 = tpu.memref_slice %arg6[%add3A_295, %dma_wait3A_301] : memref<4096x1024xf32, #tpu.memory_space<hbm>> -> memref<2x1024xf32, #tpu.memory_space<hbm>>
        %dma_wait3A_303 = arith.constant 0 : i32
        %dma_wait3A_304 = tpu.memref_slice %arg6[%add3A_295, %dma_wait3A_303] : memref<4096x1024xf32, #tpu.memory_space<hbm>> -> memref<2x1024xf32, #tpu.memory_space<hbm>>
        %dma_wait3A_305 = arith.constant 0 : i32
        %dma_wait3A_306 = arith.constant 0 : i32
        %dma_wait3A_307 = tpu.memref_slice %arg11[%dma_wait3A_296, %dma_wait3A_305, %dma_wait3A_306] : memref<2x2x1024xf32, #tpu.memory_space<vmem>> -> memref<1x2x1024xf32, #tpu.memory_space<vmem>>
        %dma_wait3A_308 = tpu.memref_squeeze %dma_wait3A_307 : memref<1x2x1024xf32, #tpu.memory_space<vmem>> -> memref<2x1024xf32, #tpu.memory_space<vmem>>
        tpu.wait_dma2 semaphore(%arg15 : memref<!tpu.dma_semaphore, #tpu.memory_space<semaphore_mem>>) src(%dma_wait3A_308 : memref<2x1024xf32, #tpu.memory_space<vmem>>) dst(%dma_wait3A_304 : memref<2x1024xf32, #tpu.memory_space<hbm>>)
      } else {
      }
      %parallel_loop3A_274 = arith.constant 0 : i32
      %parallel_loop3A_275 = arith.constant 64 : i32
      %parallel_loop3A_276 = arith.constant 1 : i32
      scf.for %parallel_loop3A_293 = %parallel_loop3A_274 to %parallel_loop3A_275 step %parallel_loop3A_276  : i32 {
        %parallel_loop3A_294 = arith.constant 16 : i32
        %parallel_loop3A_295 = arith.muli %parallel_loop3A_293, %parallel_loop3A_294 : i32
        %parallel_loop3A_296 = arith.index_cast %parallel_loop3A_295 : i32 to index
        %parallel_loop3A_297 = tpu.vector_load %arg9[%parallel_loop3A_296] {strides = array<i32>} : memref<1024xf32, #tpu.memory_space<vmem>>, vector<16xf32>,
        %parallel_loop3A_298 = vector.shape_cast %parallel_loop3A_297 : vector<16xf32> to vector<16xf32>
        %parallel_loop3A_299 = arith.constant 16 : i32
        %parallel_loop3A_300 = arith.muli %parallel_loop3A_293, %parallel_loop3A_299 : i32
        %parallel_loop3A_301 = arith.constant 1 : i32
        %parallel_loop3A_302 = arith.constant 0 : i32
        %parallel_loop3A_303 = arith.index_cast %parallel_loop3A_301 : i32 to index
        %parallel_loop3A_304 = arith.index_cast %parallel_loop3A_302 : i32 to index
        %parallel_loop3A_305 = arith.index_cast %parallel_loop3A_300 : i32 to index
        %parallel_loop3A_306 = tpu.vector_load %arg10[%parallel_loop3A_303, %parallel_loop3A_304, %parallel_loop3A_305] {strides = array<i32>} : memref<2x32x1024xf32, #tpu.memory_space<vmem>>, vector<1x1x16xf32>,
        %parallel_loop3A_307 = vector.shape_cast %parallel_loop3A_306 : vector<1x1x16xf32> to vector<16xf32>
        %parallel_loop3A_308 = vector.broadcast %squeeze3A_190 : f32 to vector<16xf32>
        %parallel_loop3A_309 = arith.mulf %parallel_loop3A_308, %parallel_loop3A_307 : vector<16xf32>
        %parallel_loop3A_310 = arith.addf %parallel_loop3A_298, %parallel_loop3A_309 : vector<16xf32>
        %parallel_loop3A_311 = arith.constant 16 : i32
        %parallel_loop3A_312 = arith.muli %parallel_loop3A_293, %parallel_loop3A_311 : i32
        %parallel_loop3A_313 = arith.constant 1 : i32
        %parallel_loop3A_314 = arith.constant 1 : i32
        %parallel_loop3A_315 = arith.index_cast %parallel_loop3A_313 : i32 to index
        %parallel_loop3A_316 = arith.index_cast %parallel_loop3A_314 : i32 to index
        %parallel_loop3A_317 = arith.index_cast %parallel_loop3A_312 : i32 to index
        %parallel_loop3A_318 = tpu.vector_load %arg10[%parallel_loop3A_315, %parallel_loop3A_316, %parallel_loop3A_317] {strides = array<i32>} : memref<2x32x1024xf32, #tpu.memory_space<vmem>>, vector<1x1x16xf32>,
        %parallel_loop3A_319 = vector.shape_cast %parallel_loop3A_318 : vector<1x1x16xf32> to vector<16xf32>
        %parallel_loop3A_320 = vector.broadcast %squeeze3A_192 : f32 to vector<16xf32>
        %parallel_loop3A_321 = arith.mulf %parallel_loop3A_320, %parallel_loop3A_319 : vector<16xf32>
        %parallel_loop3A_322 = arith.addf %parallel_loop3A_310, %parallel_loop3A_321 : vector<16xf32>
        %parallel_loop3A_323 = arith.constant 16 : i32
        %parallel_loop3A_324 = arith.muli %parallel_loop3A_293, %parallel_loop3A_323 : i32
        %parallel_loop3A_325 = arith.constant 1 : i32
        %parallel_loop3A_326 = arith.constant 2 : i32
        %parallel_loop3A_327 = arith.index_cast %parallel_loop3A_325 : i32 to index
        %parallel_loop3A_328 = arith.index_cast %parallel_loop3A_326 : i32 to index
        %parallel_loop3A_329 = arith.index_cast %parallel_loop3A_324 : i32 to index
        %parallel_loop3A_330 = tpu.vector_load %arg10[%parallel_loop3A_327, %parallel_loop3A_328, %parallel_loop3A_329] {strides = array<i32>} : memref<2x32x1024xf32, #tpu.memory_space<vmem>>, vector<1x1x16xf32>,
        %parallel_loop3A_331 = vector.shape_cast %parallel_loop3A_330 : vector<1x1x16xf32> to vector<16xf32>
        %parallel_loop3A_332 = vector.broadcast %squeeze3A_194 : f32 to vector<16xf32>
        %parallel_loop3A_333 = arith.mulf %parallel_loop3A_332, %parallel_loop3A_331 : vector<16xf32>
        %parallel_loop3A_334 = arith.addf %parallel_loop3A_322, %parallel_loop3A_333 : vector<16xf32>
        %parallel_loop3A_335 = arith.constant 16 : i32
        %parallel_loop3A_336 = arith.muli %parallel_loop3A_293, %parallel_loop3A_335 : i32
        %parallel_loop3A_337 = arith.constant 1 : i32
        %parallel_loop3A_338 = arith.constant 3 : i32
        %parallel_loop3A_339 = arith.index_cast %parallel_loop3A_337 : i32 to index
        %parallel_loop3A_340 = arith.index_cast %parallel_loop3A_338 : i32 to index
        %parallel_loop3A_341 = arith.index_cast %parallel_loop3A_336 : i32 to index
        %parallel_loop3A_342 = tpu.vector_load %arg10[%parallel_loop3A_339, %parallel_loop3A_340, %parallel_loop3A_341] {strides = array<i32>} : memref<2x32x1024xf32, #tpu.memory_space<vmem>>, vector<1x1x16xf32>,
        %parallel_loop3A_343 = vector.shape_cast %parallel_loop3A_342 : vector<1x1x16xf32> to vector<16xf32>
        %parallel_loop3A_344 = vector.broadcast %squeeze3A_196 : f32 to vector<16xf32>
        %parallel_loop3A_345 = arith.mulf %parallel_loop3A_344, %parallel_loop3A_343 : vector<16xf32>
        %parallel_loop3A_346 = arith.addf %parallel_loop3A_334, %parallel_loop3A_345 : vector<16xf32>
        %parallel_loop3A_347 = arith.constant 16 : i32
        %parallel_loop3A_348 = arith.muli %parallel_loop3A_293, %parallel_loop3A_347 : i32
        %parallel_loop3A_349 = arith.constant 1 : i32
        %parallel_loop3A_350 = arith.constant 4 : i32
        %parallel_loop3A_351 = arith.index_cast %parallel_loop3A_349 : i32 to index
        %parallel_loop3A_352 = arith.index_cast %parallel_loop3A_350 : i32 to index
        %parallel_loop3A_353 = arith.index_cast %parallel_loop3A_348 : i32 to index
        %parallel_loop3A_354 = tpu.vector_load %arg10[%parallel_loop3A_351, %parallel_loop3A_352, %parallel_loop3A_353] {strides = array<i32>} : memref<2x32x1024xf32, #tpu.memory_space<vmem>>, vector<1x1x16xf32>,
        %parallel_loop3A_355 = vector.shape_cast %parallel_loop3A_354 : vector<1x1x16xf32> to vector<16xf32>
        %parallel_loop3A_356 = vector.broadcast %squeeze3A_198 : f32 to vector<16xf32>
        %parallel_loop3A_357 = arith.mulf %parallel_loop3A_356, %parallel_loop3A_355 : vector<16xf32>
        %parallel_loop3A_358 = arith.addf %parallel_loop3A_346, %parallel_loop3A_357 : vector<16xf32>
        %parallel_loop3A_359 = arith.constant 16 : i32
        %parallel_loop3A_360 = arith.muli %parallel_loop3A_293, %parallel_loop3A_359 : i32
        %parallel_loop3A_361 = arith.constant 1 : i32
        %parallel_loop3A_362 = arith.constant 5 : i32
        %parallel_loop3A_363 = arith.index_cast %parallel_loop3A_361 : i32 to index
        %parallel_loop3A_364 = arith.index_cast %parallel_loop3A_362 : i32 to index
        %parallel_loop3A_365 = arith.index_cast %parallel_loop3A_360 : i32 to index
        %parallel_loop3A_366 = tpu.vector_load %arg10[%parallel_loop3A_363, %parallel_loop3A_364, %parallel_loop3A_365] {strides = array<i32>} : memref<2x32x1024xf32, #tpu.memory_space<vmem>>, vector<1x1x16xf32>,
        %parallel_loop3A_367 = vector.shape_cast %parallel_loop3A_366 : vector<1x1x16xf32> to vector<16xf32>
        %parallel_loop3A_368 = vector.broadcast %squeeze3A_200 : f32 to vector<16xf32>
        %parallel_loop3A_369 = arith.mulf %parallel_loop3A_368, %parallel_loop3A_367 : vector<16xf32>
        %parallel_loop3A_370 = arith.addf %parallel_loop3A_358, %parallel_loop3A_369 : vector<16xf32>
        %parallel_loop3A_371 = arith.constant 16 : i32
        %parallel_loop3A_372 = arith.muli %parallel_loop3A_293, %parallel_loop3A_371 : i32
        %parallel_loop3A_373 = arith.constant 1 : i32
        %parallel_loop3A_374 = arith.constant 6 : i32
        %parallel_loop3A_375 = arith.index_cast %parallel_loop3A_373 : i32 to index
        %parallel_loop3A_376 = arith.index_cast %parallel_loop3A_374 : i32 to index
        %parallel_loop3A_377 = arith.index_cast %parallel_loop3A_372 : i32 to index
        %parallel_loop3A_378 = tpu.vector_load %arg10[%parallel_loop3A_375, %parallel_loop3A_376, %parallel_loop3A_377] {strides = array<i32>} : memref<2x32x1024xf32, #tpu.memory_space<vmem>>, vector<1x1x16xf32>,
        %parallel_loop3A_379 = vector.shape_cast %parallel_loop3A_378 : vector<1x1x16xf32> to vector<16xf32>
        %parallel_loop3A_380 = vector.broadcast %squeeze3A_202 : f32 to vector<16xf32>
        %parallel_loop3A_381 = arith.mulf %parallel_loop3A_380, %parallel_loop3A_379 : vector<16xf32>
        %parallel_loop3A_382 = arith.addf %parallel_loop3A_370, %parallel_loop3A_381 : vector<16xf32>
        %parallel_loop3A_383 = arith.constant 16 : i32
        %parallel_loop3A_384 = arith.muli %parallel_loop3A_293, %parallel_loop3A_383 : i32
        %parallel_loop3A_385 = arith.constant 1 : i32
        %parallel_loop3A_386 = arith.constant 7 : i32
        %parallel_loop3A_387 = arith.index_cast %parallel_loop3A_385 : i32 to index
        %parallel_loop3A_388 = arith.index_cast %parallel_loop3A_386 : i32 to index
        %parallel_loop3A_389 = arith.index_cast %parallel_loop3A_384 : i32 to index
        %parallel_loop3A_390 = tpu.vector_load %arg10[%parallel_loop3A_387, %parallel_loop3A_388, %parallel_loop3A_389] {strides = array<i32>} : memref<2x32x1024xf32, #tpu.memory_space<vmem>>, vector<1x1x16xf32>,
        %parallel_loop3A_391 = vector.shape_cast %parallel_loop3A_390 : vector<1x1x16xf32> to vector<16xf32>
        %parallel_loop3A_392 = vector.broadcast %squeeze3A_204 : f32 to vector<16xf32>
        %parallel_loop3A_393 = arith.mulf %parallel_loop3A_392, %parallel_loop3A_391 : vector<16xf32>
        %parallel_loop3A_394 = arith.addf %parallel_loop3A_382, %parallel_loop3A_393 : vector<16xf32>
        %parallel_loop3A_395 = arith.constant 16 : i32
        %parallel_loop3A_396 = arith.muli %parallel_loop3A_293, %parallel_loop3A_395 : i32
        %parallel_loop3A_397 = arith.constant 1 : i32
        %parallel_loop3A_398 = arith.constant 8 : i32
        %parallel_loop3A_399 = arith.index_cast %parallel_loop3A_397 : i32 to index
        %parallel_loop3A_400 = arith.index_cast %parallel_loop3A_398 : i32 to index
        %parallel_loop3A_401 = arith.index_cast %parallel_loop3A_396 : i32 to index
        %parallel_loop3A_402 = tpu.vector_load %arg10[%parallel_loop3A_399, %parallel_loop3A_400, %parallel_loop3A_401] {strides = array<i32>} : memref<2x32x1024xf32, #tpu.memory_space<vmem>>, vector<1x1x16xf32>,
        %parallel_loop3A_403 = vector.shape_cast %parallel_loop3A_402 : vector<1x1x16xf32> to vector<16xf32>
        %parallel_loop3A_404 = vector.broadcast %squeeze3A_206 : f32 to vector<16xf32>
        %parallel_loop3A_405 = arith.mulf %parallel_loop3A_404, %parallel_loop3A_403 : vector<16xf32>
        %parallel_loop3A_406 = arith.addf %parallel_loop3A_394, %parallel_loop3A_405 : vector<16xf32>
        %parallel_loop3A_407 = arith.constant 16 : i32
        %parallel_loop3A_408 = arith.muli %parallel_loop3A_293, %parallel_loop3A_407 : i32
        %parallel_loop3A_409 = arith.constant 1 : i32
        %parallel_loop3A_410 = arith.constant 9 : i32
        %parallel_loop3A_411 = arith.index_cast %parallel_loop3A_409 : i32 to index
        %parallel_loop3A_412 = arith.index_cast %parallel_loop3A_410 : i32 to index
        %parallel_loop3A_413 = arith.index_cast %parallel_loop3A_408 : i32 to index
        %parallel_loop3A_414 = tpu.vector_load %arg10[%parallel_loop3A_411, %parallel_loop3A_412, %parallel_loop3A_413] {strides = array<i32>} : memref<2x32x1024xf32, #tpu.memory_space<vmem>>, vector<1x1x16xf32>,
        %parallel_loop3A_415 = vector.shape_cast %parallel_loop3A_414 : vector<1x1x16xf32> to vector<16xf32>
        %parallel_loop3A_416 = vector.broadcast %squeeze3A_208 : f32 to vector<16xf32>
        %parallel_loop3A_417 = arith.mulf %parallel_loop3A_416, %parallel_loop3A_415 : vector<16xf32>
        %parallel_loop3A_418 = arith.addf %parallel_loop3A_406, %parallel_loop3A_417 : vector<16xf32>
        %parallel_loop3A_419 = arith.constant 16 : i32
        %parallel_loop3A_420 = arith.muli %parallel_loop3A_293, %parallel_loop3A_419 : i32
        %parallel_loop3A_421 = arith.constant 1 : i32
        %parallel_loop3A_422 = arith.constant 10 : i32
        %parallel_loop3A_423 = arith.index_cast %parallel_loop3A_421 : i32 to index
        %parallel_loop3A_424 = arith.index_cast %parallel_loop3A_422 : i32 to index
        %parallel_loop3A_425 = arith.index_cast %parallel_loop3A_420 : i32 to index
        %parallel_loop3A_426 = tpu.vector_load %arg10[%parallel_loop3A_423, %parallel_loop3A_424, %parallel_loop3A_425] {strides = array<i32>} : memref<2x32x1024xf32, #tpu.memory_space<vmem>>, vector<1x1x16xf32>,
        %parallel_loop3A_427 = vector.shape_cast %parallel_loop3A_426 : vector<1x1x16xf32> to vector<16xf32>
        %parallel_loop3A_428 = vector.broadcast %squeeze3A_210 : f32 to vector<16xf32>
        %parallel_loop3A_429 = arith.mulf %parallel_loop3A_428, %parallel_loop3A_427 : vector<16xf32>
        %parallel_loop3A_430 = arith.addf %parallel_loop3A_418, %parallel_loop3A_429 : vector<16xf32>
        %parallel_loop3A_431 = arith.constant 16 : i32
        %parallel_loop3A_432 = arith.muli %parallel_loop3A_293, %parallel_loop3A_431 : i32
        %parallel_loop3A_433 = arith.constant 1 : i32
        %parallel_loop3A_434 = arith.constant 11 : i32
        %parallel_loop3A_435 = arith.index_cast %parallel_loop3A_433 : i32 to index
        %parallel_loop3A_436 = arith.index_cast %parallel_loop3A_434 : i32 to index
        %parallel_loop3A_437 = arith.index_cast %parallel_loop3A_432 : i32 to index
        %parallel_loop3A_438 = tpu.vector_load %arg10[%parallel_loop3A_435, %parallel_loop3A_436, %parallel_loop3A_437] {strides = array<i32>} : memref<2x32x1024xf32, #tpu.memory_space<vmem>>, vector<1x1x16xf32>,
        %parallel_loop3A_439 = vector.shape_cast %parallel_loop3A_438 : vector<1x1x16xf32> to vector<16xf32>
        %parallel_loop3A_440 = vector.broadcast %squeeze3A_212 : f32 to vector<16xf32>
        %parallel_loop3A_441 = arith.mulf %parallel_loop3A_440, %parallel_loop3A_439 : vector<16xf32>
        %parallel_loop3A_442 = arith.addf %parallel_loop3A_430, %parallel_loop3A_441 : vector<16xf32>
        %parallel_loop3A_443 = arith.constant 16 : i32
        %parallel_loop3A_444 = arith.muli %parallel_loop3A_293, %parallel_loop3A_443 : i32
        %parallel_loop3A_445 = arith.constant 1 : i32
        %parallel_loop3A_446 = arith.constant 12 : i32
        %parallel_loop3A_447 = arith.index_cast %parallel_loop3A_445 : i32 to index
        %parallel_loop3A_448 = arith.index_cast %parallel_loop3A_446 : i32 to index
        %parallel_loop3A_449 = arith.index_cast %parallel_loop3A_444 : i32 to index
        %parallel_loop3A_450 = tpu.vector_load %arg10[%parallel_loop3A_447, %parallel_loop3A_448, %parallel_loop3A_449] {strides = array<i32>} : memref<2x32x1024xf32, #tpu.memory_space<vmem>>, vector<1x1x16xf32>,
        %parallel_loop3A_451 = vector.shape_cast %parallel_loop3A_450 : vector<1x1x16xf32> to vector<16xf32>
        %parallel_loop3A_452 = vector.broadcast %squeeze3A_214 : f32 to vector<16xf32>
        %parallel_loop3A_453 = arith.mulf %parallel_loop3A_452, %parallel_loop3A_451 : vector<16xf32>
        %parallel_loop3A_454 = arith.addf %parallel_loop3A_442, %parallel_loop3A_453 : vector<16xf32>
        %parallel_loop3A_455 = arith.constant 16 : i32
        %parallel_loop3A_456 = arith.muli %parallel_loop3A_293, %parallel_loop3A_455 : i32
        %parallel_loop3A_457 = arith.constant 1 : i32
        %parallel_loop3A_458 = arith.constant 13 : i32
        %parallel_loop3A_459 = arith.index_cast %parallel_loop3A_457 : i32 to index
        %parallel_loop3A_460 = arith.index_cast %parallel_loop3A_458 : i32 to index
        %parallel_loop3A_461 = arith.index_cast %parallel_loop3A_456 : i32 to index
        %parallel_loop3A_462 = tpu.vector_load %arg10[%parallel_loop3A_459, %parallel_loop3A_460, %parallel_loop3A_461] {strides = array<i32>} : memref<2x32x1024xf32, #tpu.memory_space<vmem>>, vector<1x1x16xf32>,
        %parallel_loop3A_463 = vector.shape_cast %parallel_loop3A_462 : vector<1x1x16xf32> to vector<16xf32>
        %parallel_loop3A_464 = vector.broadcast %squeeze3A_216 : f32 to vector<16xf32>
        %parallel_loop3A_465 = arith.mulf %parallel_loop3A_464, %parallel_loop3A_463 : vector<16xf32>
        %parallel_loop3A_466 = arith.addf %parallel_loop3A_454, %parallel_loop3A_465 : vector<16xf32>
        %parallel_loop3A_467 = arith.constant 16 : i32
        %parallel_loop3A_468 = arith.muli %parallel_loop3A_293, %parallel_loop3A_467 : i32
        %parallel_loop3A_469 = arith.constant 1 : i32
        %parallel_loop3A_470 = arith.constant 14 : i32
        %parallel_loop3A_471 = arith.index_cast %parallel_loop3A_469 : i32 to index
        %parallel_loop3A_472 = arith.index_cast %parallel_loop3A_470 : i32 to index
        %parallel_loop3A_473 = arith.index_cast %parallel_loop3A_468 : i32 to index
        %parallel_loop3A_474 = tpu.vector_load %arg10[%parallel_loop3A_471, %parallel_loop3A_472, %parallel_loop3A_473] {strides = array<i32>} : memref<2x32x1024xf32, #tpu.memory_space<vmem>>, vector<1x1x16xf32>,
        %parallel_loop3A_475 = vector.shape_cast %parallel_loop3A_474 : vector<1x1x16xf32> to vector<16xf32>
        %parallel_loop3A_476 = vector.broadcast %squeeze3A_218 : f32 to vector<16xf32>
        %parallel_loop3A_477 = arith.mulf %parallel_loop3A_476, %parallel_loop3A_475 : vector<16xf32>
        %parallel_loop3A_478 = arith.addf %parallel_loop3A_466, %parallel_loop3A_477 : vector<16xf32>
        %parallel_loop3A_479 = arith.constant 16 : i32
        %parallel_loop3A_480 = arith.muli %parallel_loop3A_293, %parallel_loop3A_479 : i32
        %parallel_loop3A_481 = arith.constant 1 : i32
        %parallel_loop3A_482 = arith.constant 15 : i32
        %parallel_loop3A_483 = arith.index_cast %parallel_loop3A_481 : i32 to index
        %parallel_loop3A_484 = arith.index_cast %parallel_loop3A_482 : i32 to index
        %parallel_loop3A_485 = arith.index_cast %parallel_loop3A_480 : i32 to index
        %parallel_loop3A_486 = tpu.vector_load %arg10[%parallel_loop3A_483, %parallel_loop3A_484, %parallel_loop3A_485] {strides = array<i32>} : memref<2x32x1024xf32, #tpu.memory_space<vmem>>, vector<1x1x16xf32>,
        %parallel_loop3A_487 = vector.shape_cast %parallel_loop3A_486 : vector<1x1x16xf32> to vector<16xf32>
        %parallel_loop3A_488 = vector.broadcast %squeeze3A_220 : f32 to vector<16xf32>
        %parallel_loop3A_489 = arith.mulf %parallel_loop3A_488, %parallel_loop3A_487 : vector<16xf32>
        %parallel_loop3A_490 = arith.addf %parallel_loop3A_478, %parallel_loop3A_489 : vector<16xf32>
        %parallel_loop3A_491 = arith.constant 16 : i32
        %parallel_loop3A_492 = arith.muli %parallel_loop3A_293, %parallel_loop3A_491 : i32
        %parallel_loop3A_493 = arith.constant 1 : i32
        %parallel_loop3A_494 = arith.constant 0 : i32
        %parallel_loop3A_495 = arith.index_cast %parallel_loop3A_493 : i32 to index
        %parallel_loop3A_496 = arith.index_cast %parallel_loop3A_494 : i32 to index
        %parallel_loop3A_497 = arith.index_cast %parallel_loop3A_492 : i32 to index
        %parallel_loop3A_498 = tpu.vector_load %arg11[%parallel_loop3A_495, %parallel_loop3A_496, %parallel_loop3A_497] {strides = array<i32>} : memref<2x2x1024xf32, #tpu.memory_space<vmem>>, vector<1x1x16xf32>,
        %parallel_loop3A_499 = vector.shape_cast %parallel_loop3A_498 : vector<1x1x16xf32> to vector<16xf32>
        %parallel_loop3A_500 = vector.shape_cast %parallel_loop3A_490 : vector<16xf32> to vector<1x1x16xf32>
        tpu.vector_store %arg11[%parallel_loop3A_495, %parallel_loop3A_496, %parallel_loop3A_497], %parallel_loop3A_500 {strides = array<i32>} : memref<2x2x1024xf32, #tpu.memory_space<vmem>>, vector<1x1x16xf32>,
        %parallel_loop3A_501 = arith.constant 16 : i32
        %parallel_loop3A_502 = arith.muli %parallel_loop3A_293, %parallel_loop3A_501 : i32
        %parallel_loop3A_503 = arith.constant 1 : i32
        %parallel_loop3A_504 = arith.constant 16 : i32
        %parallel_loop3A_505 = arith.index_cast %parallel_loop3A_503 : i32 to index
        %parallel_loop3A_506 = arith.index_cast %parallel_loop3A_504 : i32 to index
        %parallel_loop3A_507 = arith.index_cast %parallel_loop3A_502 : i32 to index
        %parallel_loop3A_508 = tpu.vector_load %arg10[%parallel_loop3A_505, %parallel_loop3A_506, %parallel_loop3A_507] {strides = array<i32>} : memref<2x32x1024xf32, #tpu.memory_space<vmem>>, vector<1x1x16xf32>,
        %parallel_loop3A_509 = vector.shape_cast %parallel_loop3A_508 : vector<1x1x16xf32> to vector<16xf32>
        %parallel_loop3A_510 = vector.broadcast %squeeze3A_227 : f32 to vector<16xf32>
        %parallel_loop3A_511 = arith.mulf %parallel_loop3A_510, %parallel_loop3A_509 : vector<16xf32>
        %parallel_loop3A_512 = arith.addf %parallel_loop3A_298, %parallel_loop3A_511 : vector<16xf32>
        %parallel_loop3A_513 = arith.constant 16 : i32
        %parallel_loop3A_514 = arith.muli %parallel_loop3A_293, %parallel_loop3A_513 : i32
        %parallel_loop3A_515 = arith.constant 1 : i32
        %parallel_loop3A_516 = arith.constant 17 : i32
        %parallel_loop3A_517 = arith.index_cast %parallel_loop3A_515 : i32 to index
        %parallel_loop3A_518 = arith.index_cast %parallel_loop3A_516 : i32 to index
        %parallel_loop3A_519 = arith.index_cast %parallel_loop3A_514 : i32 to index
        %parallel_loop3A_520 = tpu.vector_load %arg10[%parallel_loop3A_517, %parallel_loop3A_518, %parallel_loop3A_519] {strides = array<i32>} : memref<2x32x1024xf32, #tpu.memory_space<vmem>>, vector<1x1x16xf32>,
        %parallel_loop3A_521 = vector.shape_cast %parallel_loop3A_520 : vector<1x1x16xf32> to vector<16xf32>
        %parallel_loop3A_522 = vector.broadcast %squeeze3A_229 : f32 to vector<16xf32>
        %parallel_loop3A_523 = arith.mulf %parallel_loop3A_522, %parallel_loop3A_521 : vector<16xf32>
        %parallel_loop3A_524 = arith.addf %parallel_loop3A_512, %parallel_loop3A_523 : vector<16xf32>
        %parallel_loop3A_525 = arith.constant 16 : i32
        %parallel_loop3A_526 = arith.muli %parallel_loop3A_293, %parallel_loop3A_525 : i32
        %parallel_loop3A_527 = arith.constant 1 : i32
        %parallel_loop3A_528 = arith.constant 18 : i32
        %parallel_loop3A_529 = arith.index_cast %parallel_loop3A_527 : i32 to index
        %parallel_loop3A_530 = arith.index_cast %parallel_loop3A_528 : i32 to index
        %parallel_loop3A_531 = arith.index_cast %parallel_loop3A_526 : i32 to index
        %parallel_loop3A_532 = tpu.vector_load %arg10[%parallel_loop3A_529, %parallel_loop3A_530, %parallel_loop3A_531] {strides = array<i32>} : memref<2x32x1024xf32, #tpu.memory_space<vmem>>, vector<1x1x16xf32>,
        %parallel_loop3A_533 = vector.shape_cast %parallel_loop3A_532 : vector<1x1x16xf32> to vector<16xf32>
        %parallel_loop3A_534 = vector.broadcast %squeeze3A_231 : f32 to vector<16xf32>
        %parallel_loop3A_535 = arith.mulf %parallel_loop3A_534, %parallel_loop3A_533 : vector<16xf32>
        %parallel_loop3A_536 = arith.addf %parallel_loop3A_524, %parallel_loop3A_535 : vector<16xf32>
        %parallel_loop3A_537 = arith.constant 16 : i32
        %parallel_loop3A_538 = arith.muli %parallel_loop3A_293, %parallel_loop3A_537 : i32
        %parallel_loop3A_539 = arith.constant 1 : i32
        %parallel_loop3A_540 = arith.constant 19 : i32
        %parallel_loop3A_541 = arith.index_cast %parallel_loop3A_539 : i32 to index
        %parallel_loop3A_542 = arith.index_cast %parallel_loop3A_540 : i32 to index
        %parallel_loop3A_543 = arith.index_cast %parallel_loop3A_538 : i32 to index
        %parallel_loop3A_544 = tpu.vector_load %arg10[%parallel_loop3A_541, %parallel_loop3A_542, %parallel_loop3A_543] {strides = array<i32>} : memref<2x32x1024xf32, #tpu.memory_space<vmem>>, vector<1x1x16xf32>,
        %parallel_loop3A_545 = vector.shape_cast %parallel_loop3A_544 : vector<1x1x16xf32> to vector<16xf32>
        %parallel_loop3A_546 = vector.broadcast %squeeze3A_233 : f32 to vector<16xf32>
        %parallel_loop3A_547 = arith.mulf %parallel_loop3A_546, %parallel_loop3A_545 : vector<16xf32>
        %parallel_loop3A_548 = arith.addf %parallel_loop3A_536, %parallel_loop3A_547 : vector<16xf32>
        %parallel_loop3A_549 = arith.constant 16 : i32
        %parallel_loop3A_550 = arith.muli %parallel_loop3A_293, %parallel_loop3A_549 : i32
        %parallel_loop3A_551 = arith.constant 1 : i32
        %parallel_loop3A_552 = arith.constant 20 : i32
        %parallel_loop3A_553 = arith.index_cast %parallel_loop3A_551 : i32 to index
        %parallel_loop3A_554 = arith.index_cast %parallel_loop3A_552 : i32 to index
        %parallel_loop3A_555 = arith.index_cast %parallel_loop3A_550 : i32 to index
        %parallel_loop3A_556 = tpu.vector_load %arg10[%parallel_loop3A_553, %parallel_loop3A_554, %parallel_loop3A_555] {strides = array<i32>} : memref<2x32x1024xf32, #tpu.memory_space<vmem>>, vector<1x1x16xf32>,
        %parallel_loop3A_557 = vector.shape_cast %parallel_loop3A_556 : vector<1x1x16xf32> to vector<16xf32>
        %parallel_loop3A_558 = vector.broadcast %squeeze3A_235 : f32 to vector<16xf32>
        %parallel_loop3A_559 = arith.mulf %parallel_loop3A_558, %parallel_loop3A_557 : vector<16xf32>
        %parallel_loop3A_560 = arith.addf %parallel_loop3A_548, %parallel_loop3A_559 : vector<16xf32>
        %parallel_loop3A_561 = arith.constant 16 : i32
        %parallel_loop3A_562 = arith.muli %parallel_loop3A_293, %parallel_loop3A_561 : i32
        %parallel_loop3A_563 = arith.constant 1 : i32
        %parallel_loop3A_564 = arith.constant 21 : i32
        %parallel_loop3A_565 = arith.index_cast %parallel_loop3A_563 : i32 to index
        %parallel_loop3A_566 = arith.index_cast %parallel_loop3A_564 : i32 to index
        %parallel_loop3A_567 = arith.index_cast %parallel_loop3A_562 : i32 to index
        %parallel_loop3A_568 = tpu.vector_load %arg10[%parallel_loop3A_565, %parallel_loop3A_566, %parallel_loop3A_567] {strides = array<i32>} : memref<2x32x1024xf32, #tpu.memory_space<vmem>>, vector<1x1x16xf32>,
        %parallel_loop3A_569 = vector.shape_cast %parallel_loop3A_568 : vector<1x1x16xf32> to vector<16xf32>
        %parallel_loop3A_570 = vector.broadcast %squeeze3A_237 : f32 to vector<16xf32>
        %parallel_loop3A_571 = arith.mulf %parallel_loop3A_570, %parallel_loop3A_569 : vector<16xf32>
        %parallel_loop3A_572 = arith.addf %parallel_loop3A_560, %parallel_loop3A_571 : vector<16xf32>
        %parallel_loop3A_573 = arith.constant 16 : i32
        %parallel_loop3A_574 = arith.muli %parallel_loop3A_293, %parallel_loop3A_573 : i32
        %parallel_loop3A_575 = arith.constant 1 : i32
        %parallel_loop3A_576 = arith.constant 22 : i32
        %parallel_loop3A_577 = arith.index_cast %parallel_loop3A_575 : i32 to index
        %parallel_loop3A_578 = arith.index_cast %parallel_loop3A_576 : i32 to index
        %parallel_loop3A_579 = arith.index_cast %parallel_loop3A_574 : i32 to index
        %parallel_loop3A_580 = tpu.vector_load %arg10[%parallel_loop3A_577, %parallel_loop3A_578, %parallel_loop3A_579] {strides = array<i32>} : memref<2x32x1024xf32, #tpu.memory_space<vmem>>, vector<1x1x16xf32>,
        %parallel_loop3A_581 = vector.shape_cast %parallel_loop3A_580 : vector<1x1x16xf32> to vector<16xf32>
        %parallel_loop3A_582 = vector.broadcast %squeeze3A_239 : f32 to vector<16xf32>
        %parallel_loop3A_583 = arith.mulf %parallel_loop3A_582, %parallel_loop3A_581 : vector<16xf32>
        %parallel_loop3A_584 = arith.addf %parallel_loop3A_572, %parallel_loop3A_583 : vector<16xf32>
        %parallel_loop3A_585 = arith.constant 16 : i32
        %parallel_loop3A_586 = arith.muli %parallel_loop3A_293, %parallel_loop3A_585 : i32
        %parallel_loop3A_587 = arith.constant 1 : i32
        %parallel_loop3A_588 = arith.constant 23 : i32
        %parallel_loop3A_589 = arith.index_cast %parallel_loop3A_587 : i32 to index
        %parallel_loop3A_590 = arith.index_cast %parallel_loop3A_588 : i32 to index
        %parallel_loop3A_591 = arith.index_cast %parallel_loop3A_586 : i32 to index
        %parallel_loop3A_592 = tpu.vector_load %arg10[%parallel_loop3A_589, %parallel_loop3A_590, %parallel_loop3A_591] {strides = array<i32>} : memref<2x32x1024xf32, #tpu.memory_space<vmem>>, vector<1x1x16xf32>,
        %parallel_loop3A_593 = vector.shape_cast %parallel_loop3A_592 : vector<1x1x16xf32> to vector<16xf32>
        %parallel_loop3A_594 = vector.broadcast %squeeze3A_241 : f32 to vector<16xf32>
        %parallel_loop3A_595 = arith.mulf %parallel_loop3A_594, %parallel_loop3A_593 : vector<16xf32>
        %parallel_loop3A_596 = arith.addf %parallel_loop3A_584, %parallel_loop3A_595 : vector<16xf32>
        %parallel_loop3A_597 = arith.constant 16 : i32
        %parallel_loop3A_598 = arith.muli %parallel_loop3A_293, %parallel_loop3A_597 : i32
        %parallel_loop3A_599 = arith.constant 1 : i32
        %parallel_loop3A_600 = arith.constant 24 : i32
        %parallel_loop3A_601 = arith.index_cast %parallel_loop3A_599 : i32 to index
        %parallel_loop3A_602 = arith.index_cast %parallel_loop3A_600 : i32 to index
        %parallel_loop3A_603 = arith.index_cast %parallel_loop3A_598 : i32 to index
        %parallel_loop3A_604 = tpu.vector_load %arg10[%parallel_loop3A_601, %parallel_loop3A_602, %parallel_loop3A_603] {strides = array<i32>} : memref<2x32x1024xf32, #tpu.memory_space<vmem>>, vector<1x1x16xf32>,
        %parallel_loop3A_605 = vector.shape_cast %parallel_loop3A_604 : vector<1x1x16xf32> to vector<16xf32>
        %parallel_loop3A_606 = vector.broadcast %squeeze3A_243 : f32 to vector<16xf32>
        %parallel_loop3A_607 = arith.mulf %parallel_loop3A_606, %parallel_loop3A_605 : vector<16xf32>
        %parallel_loop3A_608 = arith.addf %parallel_loop3A_596, %parallel_loop3A_607 : vector<16xf32>
        %parallel_loop3A_609 = arith.constant 16 : i32
        %parallel_loop3A_610 = arith.muli %parallel_loop3A_293, %parallel_loop3A_609 : i32
        %parallel_loop3A_611 = arith.constant 1 : i32
        %parallel_loop3A_612 = arith.constant 25 : i32
        %parallel_loop3A_613 = arith.index_cast %parallel_loop3A_611 : i32 to index
        %parallel_loop3A_614 = arith.index_cast %parallel_loop3A_612 : i32 to index
        %parallel_loop3A_615 = arith.index_cast %parallel_loop3A_610 : i32 to index
        %parallel_loop3A_616 = tpu.vector_load %arg10[%parallel_loop3A_613, %parallel_loop3A_614, %parallel_loop3A_615] {strides = array<i32>} : memref<2x32x1024xf32, #tpu.memory_space<vmem>>, vector<1x1x16xf32>,
        %parallel_loop3A_617 = vector.shape_cast %parallel_loop3A_616 : vector<1x1x16xf32> to vector<16xf32>
        %parallel_loop3A_618 = vector.broadcast %squeeze3A_245 : f32 to vector<16xf32>
        %parallel_loop3A_619 = arith.mulf %parallel_loop3A_618, %parallel_loop3A_617 : vector<16xf32>
        %parallel_loop3A_620 = arith.addf %parallel_loop3A_608, %parallel_loop3A_619 : vector<16xf32>
        %parallel_loop3A_621 = arith.constant 16 : i32
        %parallel_loop3A_622 = arith.muli %parallel_loop3A_293, %parallel_loop3A_621 : i32
        %parallel_loop3A_623 = arith.constant 1 : i32
        %parallel_loop3A_624 = arith.constant 26 : i32
        %parallel_loop3A_625 = arith.index_cast %parallel_loop3A_623 : i32 to index
        %parallel_loop3A_626 = arith.index_cast %parallel_loop3A_624 : i32 to index
        %parallel_loop3A_627 = arith.index_cast %parallel_loop3A_622 : i32 to index
        %parallel_loop3A_628 = tpu.vector_load %arg10[%parallel_loop3A_625, %parallel_loop3A_626, %parallel_loop3A_627] {strides = array<i32>} : memref<2x32x1024xf32, #tpu.memory_space<vmem>>, vector<1x1x16xf32>,
        %parallel_loop3A_629 = vector.shape_cast %parallel_loop3A_628 : vector<1x1x16xf32> to vector<16xf32>
        %parallel_loop3A_630 = vector.broadcast %squeeze3A_247 : f32 to vector<16xf32>
        %parallel_loop3A_631 = arith.mulf %parallel_loop3A_630, %parallel_loop3A_629 : vector<16xf32>
        %parallel_loop3A_632 = arith.addf %parallel_loop3A_620, %parallel_loop3A_631 : vector<16xf32>
        %parallel_loop3A_633 = arith.constant 16 : i32
        %parallel_loop3A_634 = arith.muli %parallel_loop3A_293, %parallel_loop3A_633 : i32
        %parallel_loop3A_635 = arith.constant 1 : i32
        %parallel_loop3A_636 = arith.constant 27 : i32
        %parallel_loop3A_637 = arith.index_cast %parallel_loop3A_635 : i32 to index
        %parallel_loop3A_638 = arith.index_cast %parallel_loop3A_636 : i32 to index
        %parallel_loop3A_639 = arith.index_cast %parallel_loop3A_634 : i32 to index
        %parallel_loop3A_640 = tpu.vector_load %arg10[%parallel_loop3A_637, %parallel_loop3A_638, %parallel_loop3A_639] {strides = array<i32>} : memref<2x32x1024xf32, #tpu.memory_space<vmem>>, vector<1x1x16xf32>,
        %parallel_loop3A_641 = vector.shape_cast %parallel_loop3A_640 : vector<1x1x16xf32> to vector<16xf32>
        %parallel_loop3A_642 = vector.broadcast %squeeze3A_249 : f32 to vector<16xf32>
        %parallel_loop3A_643 = arith.mulf %parallel_loop3A_642, %parallel_loop3A_641 : vector<16xf32>
        %parallel_loop3A_644 = arith.addf %parallel_loop3A_632, %parallel_loop3A_643 : vector<16xf32>
        %parallel_loop3A_645 = arith.constant 16 : i32
        %parallel_loop3A_646 = arith.muli %parallel_loop3A_293, %parallel_loop3A_645 : i32
        %parallel_loop3A_647 = arith.constant 1 : i32
        %parallel_loop3A_648 = arith.constant 28 : i32
        %parallel_loop3A_649 = arith.index_cast %parallel_loop3A_647 : i32 to index
        %parallel_loop3A_650 = arith.index_cast %parallel_loop3A_648 : i32 to index
        %parallel_loop3A_651 = arith.index_cast %parallel_loop3A_646 : i32 to index
        %parallel_loop3A_652 = tpu.vector_load %arg10[%parallel_loop3A_649, %parallel_loop3A_650, %parallel_loop3A_651] {strides = array<i32>} : memref<2x32x1024xf32, #tpu.memory_space<vmem>>, vector<1x1x16xf32>,
        %parallel_loop3A_653 = vector.shape_cast %parallel_loop3A_652 : vector<1x1x16xf32> to vector<16xf32>
        %parallel_loop3A_654 = vector.broadcast %squeeze3A_251 : f32 to vector<16xf32>
        %parallel_loop3A_655 = arith.mulf %parallel_loop3A_654, %parallel_loop3A_653 : vector<16xf32>
        %parallel_loop3A_656 = arith.addf %parallel_loop3A_644, %parallel_loop3A_655 : vector<16xf32>
        %parallel_loop3A_657 = arith.constant 16 : i32
        %parallel_loop3A_658 = arith.muli %parallel_loop3A_293, %parallel_loop3A_657 : i32
        %parallel_loop3A_659 = arith.constant 1 : i32
        %parallel_loop3A_660 = arith.constant 29 : i32
        %parallel_loop3A_661 = arith.index_cast %parallel_loop3A_659 : i32 to index
        %parallel_loop3A_662 = arith.index_cast %parallel_loop3A_660 : i32 to index
        %parallel_loop3A_663 = arith.index_cast %parallel_loop3A_658 : i32 to index
        %parallel_loop3A_664 = tpu.vector_load %arg10[%parallel_loop3A_661, %parallel_loop3A_662, %parallel_loop3A_663] {strides = array<i32>} : memref<2x32x1024xf32, #tpu.memory_space<vmem>>, vector<1x1x16xf32>,
        %parallel_loop3A_665 = vector.shape_cast %parallel_loop3A_664 : vector<1x1x16xf32> to vector<16xf32>
        %parallel_loop3A_666 = vector.broadcast %squeeze3A_253 : f32 to vector<16xf32>
        %parallel_loop3A_667 = arith.mulf %parallel_loop3A_666, %parallel_loop3A_665 : vector<16xf32>
        %parallel_loop3A_668 = arith.addf %parallel_loop3A_656, %parallel_loop3A_667 : vector<16xf32>
        %parallel_loop3A_669 = arith.constant 16 : i32
        %parallel_loop3A_670 = arith.muli %parallel_loop3A_293, %parallel_loop3A_669 : i32
        %parallel_loop3A_671 = arith.constant 1 : i32
        %parallel_loop3A_672 = arith.constant 30 : i32
        %parallel_loop3A_673 = arith.index_cast %parallel_loop3A_671 : i32 to index
        %parallel_loop3A_674 = arith.index_cast %parallel_loop3A_672 : i32 to index
        %parallel_loop3A_675 = arith.index_cast %parallel_loop3A_670 : i32 to index
        %parallel_loop3A_676 = tpu.vector_load %arg10[%parallel_loop3A_673, %parallel_loop3A_674, %parallel_loop3A_675] {strides = array<i32>} : memref<2x32x1024xf32, #tpu.memory_space<vmem>>, vector<1x1x16xf32>,
        %parallel_loop3A_677 = vector.shape_cast %parallel_loop3A_676 : vector<1x1x16xf32> to vector<16xf32>
        %parallel_loop3A_678 = vector.broadcast %squeeze3A_255 : f32 to vector<16xf32>
        %parallel_loop3A_679 = arith.mulf %parallel_loop3A_678, %parallel_loop3A_677 : vector<16xf32>
        %parallel_loop3A_680 = arith.addf %parallel_loop3A_668, %parallel_loop3A_679 : vector<16xf32>
        %parallel_loop3A_681 = arith.constant 16 : i32
        %parallel_loop3A_682 = arith.muli %parallel_loop3A_293, %parallel_loop3A_681 : i32
        %parallel_loop3A_683 = arith.constant 1 : i32
        %parallel_loop3A_684 = arith.constant 31 : i32
        %parallel_loop3A_685 = arith.index_cast %parallel_loop3A_683 : i32 to index
        %parallel_loop3A_686 = arith.index_cast %parallel_loop3A_684 : i32 to index
        %parallel_loop3A_687 = arith.index_cast %parallel_loop3A_682 : i32 to index
        %parallel_loop3A_688 = tpu.vector_load %arg10[%parallel_loop3A_685, %parallel_loop3A_686, %parallel_loop3A_687] {strides = array<i32>} : memref<2x32x1024xf32, #tpu.memory_space<vmem>>, vector<1x1x16xf32>,
        %parallel_loop3A_689 = vector.shape_cast %parallel_loop3A_688 : vector<1x1x16xf32> to vector<16xf32>
        %parallel_loop3A_690 = vector.broadcast %squeeze3A_257 : f32 to vector<16xf32>
        %parallel_loop3A_691 = arith.mulf %parallel_loop3A_690, %parallel_loop3A_689 : vector<16xf32>
        %parallel_loop3A_692 = arith.addf %parallel_loop3A_680, %parallel_loop3A_691 : vector<16xf32>
        %parallel_loop3A_693 = arith.constant 16 : i32
        %parallel_loop3A_694 = arith.muli %parallel_loop3A_293, %parallel_loop3A_693 : i32
        %parallel_loop3A_695 = arith.constant 1 : i32
        %parallel_loop3A_696 = arith.constant 1 : i32
        %parallel_loop3A_697 = arith.index_cast %parallel_loop3A_695 : i32 to index
        %parallel_loop3A_698 = arith.index_cast %parallel_loop3A_696 : i32 to index
        %parallel_loop3A_699 = arith.index_cast %parallel_loop3A_694 : i32 to index
        %parallel_loop3A_700 = tpu.vector_load %arg11[%parallel_loop3A_697, %parallel_loop3A_698, %parallel_loop3A_699] {strides = array<i32>} : memref<2x2x1024xf32, #tpu.memory_space<vmem>>, vector<1x1x16xf32>,
        %parallel_loop3A_701 = vector.shape_cast %parallel_loop3A_700 : vector<1x1x16xf32> to vector<16xf32>
        %parallel_loop3A_702 = vector.shape_cast %parallel_loop3A_692 : vector<16xf32> to vector<1x1x16xf32>
        tpu.vector_store %arg11[%parallel_loop3A_697, %parallel_loop3A_698, %parallel_loop3A_699], %parallel_loop3A_702 {strides = array<i32>} : memref<2x2x1024xf32, #tpu.memory_space<vmem>>, vector<1x1x16xf32>,
      } {sc.loop_unroll_factor = 3 : i64, sc.parallel_access}
      %mul3A_277 = arith.constant 2 : i32
      %mul3A_278 = arith.muli %add3A_181, %mul3A_277 : i32
      %add3A_279 = arith.addi %mul3A_2, %mul3A_278 : i32
      %dma_start3A_280 = arith.constant 1 : i32
      %dma_start3A_281 = arith.constant 0 : i32
      %dma_start3A_282 = arith.constant 0 : i32
      %dma_start3A_283 = tpu.memref_slice %arg11[%dma_start3A_280, %dma_start3A_281, %dma_start3A_282] : memref<2x2x1024xf32, #tpu.memory_space<vmem>> -> memref<1x2x1024xf32, #tpu.memory_space<vmem>>
      %dma_start3A_284 = tpu.memref_squeeze %dma_start3A_283 : memref<1x2x1024xf32, #tpu.memory_space<vmem>> -> memref<2x1024xf32, #tpu.memory_space<vmem>>
      %dma_start3A_285 = arith.constant 0 : i32
      %dma_start3A_286 = tpu.memref_slice %arg6[%add3A_279, %dma_start3A_285] : memref<4096x1024xf32, #tpu.memory_space<hbm>> -> memref<2x1024xf32, #tpu.memory_space<hbm>>
      %dma_start3A_287 = arith.constant 0 : i32
      %dma_start3A_288 = tpu.memref_slice %arg6[%add3A_279, %dma_start3A_287] : memref<4096x1024xf32, #tpu.memory_space<hbm>> -> memref<2x1024xf32, #tpu.memory_space<hbm>>
      %dma_start3A_289 = arith.constant 0 : i32
      %dma_start3A_290 = arith.constant 0 : i32
      %dma_start3A_291 = tpu.memref_slice %arg11[%dma_start3A_280, %dma_start3A_289, %dma_start3A_290] : memref<2x2x1024xf32, #tpu.memory_space<vmem>> -> memref<1x2x1024xf32, #tpu.memory_space<vmem>>
      %dma_start3A_292 = tpu.memref_squeeze %dma_start3A_291 : memref<1x2x1024xf32, #tpu.memory_space<vmem>> -> memref<2x1024xf32, #tpu.memory_space<vmem>>
      tpu.enqueue_dma source(%dma_start3A_292 : memref<2x1024xf32, #tpu.memory_space<vmem>>) target(%dma_start3A_288 : memref<2x1024xf32, #tpu.memory_space<hbm>>) target_semaphore(%arg15 : memref<!tpu.dma_semaphore, #tpu.memory_space<semaphore_mem>>)
    }
    %scan3A_25 = arith.constant 32 : i32
    %add3A_26 = arith.constant 124 : i32
    %add3A_27 = arith.addi %mul3A_2, %add3A_26 : i32
    %dma_wait3A_28 = arith.constant 0 : i32
    %dma_wait3A_29 = arith.constant 0 : i32
    %dma_wait3A_30 = arith.constant 0 : i32
    %dma_wait3A_31 = tpu.memref_slice %arg11[%dma_wait3A_28, %dma_wait3A_29, %dma_wait3A_30] : memref<2x2x1024xf32, #tpu.memory_space<vmem>> -> memref<1x2x1024xf32, #tpu.memory_space<vmem>>
    %dma_wait3A_32 = tpu.memref_squeeze %dma_wait3A_31 : memref<1x2x1024xf32, #tpu.memory_space<vmem>> -> memref<2x1024xf32, #tpu.memory_space<vmem>>
    %dma_wait3A_33 = arith.constant 0 : i32
    %dma_wait3A_34 = tpu.memref_slice %arg6[%add3A_27, %dma_wait3A_33] : memref<4096x1024xf32, #tpu.memory_space<hbm>> -> memref<2x1024xf32, #tpu.memory_space<hbm>>
    %dma_wait3A_35 = arith.constant 0 : i32
    %dma_wait3A_36 = tpu.memref_slice %arg6[%add3A_27, %dma_wait3A_35] : memref<4096x1024xf32, #tpu.memory_space<hbm>> -> memref<2x1024xf32, #tpu.memory_space<hbm>>
    %dma_wait3A_37 = arith.constant 0 : i32
    %dma_wait3A_38 = arith.constant 0 : i32
    %dma_wait3A_39 = tpu.memref_slice %arg11[%dma_wait3A_28, %dma_wait3A_37, %dma_wait3A_38] : memref<2x2x1024xf32, #tpu.memory_space<vmem>> -> memref<1x2x1024xf32, #tpu.memory_space<vmem>>
    %dma_wait3A_40 = tpu.memref_squeeze %dma_wait3A_39 : memref<1x2x1024xf32, #tpu.memory_space<vmem>> -> memref<2x1024xf32, #tpu.memory_space<vmem>>
    tpu.wait_dma2 semaphore(%arg14 : memref<!tpu.dma_semaphore, #tpu.memory_space<semaphore_mem>>) src(%dma_wait3A_40 : memref<2x1024xf32, #tpu.memory_space<vmem>>) dst(%dma_wait3A_36 : memref<2x1024xf32, #tpu.memory_space<hbm>>)
    %add3A_41 = arith.constant 126 : i32
    %add3A_42 = arith.addi %mul3A_2, %add3A_41 : i32
    %dma_wait3A_43 = arith.constant 1 : i32
    %dma_wait3A_44 = arith.constant 0 : i32
    %dma_wait3A_45 = arith.constant 0 : i32
    %dma_wait3A_46 = tpu.memref_slice %arg11[%dma_wait3A_43, %dma_wait3A_44, %dma_wait3A_45] : memref<2x2x1024xf32, #tpu.memory_space<vmem>> -> memref<1x2x1024xf32, #tpu.memory_space<vmem>>
    %dma_wait3A_47 = tpu.memref_squeeze %dma_wait3A_46 : memref<1x2x1024xf32, #tpu.memory_space<vmem>> -> memref<2x1024xf32, #tpu.memory_space<vmem>>
    %dma_wait3A_48 = arith.constant 0 : i32
    %dma_wait3A_49 = tpu.memref_slice %arg6[%add3A_42, %dma_wait3A_48] : memref<4096x1024xf32, #tpu.memory_space<hbm>> -> memref<2x1024xf32, #tpu.memory_space<hbm>>
    %dma_wait3A_50 = arith.constant 0 : i32
    %dma_wait3A_51 = tpu.memref_slice %arg6[%add3A_42, %dma_wait3A_50] : memref<4096x1024xf32, #tpu.memory_space<hbm>> -> memref<2x1024xf32, #tpu.memory_space<hbm>>
    %dma_wait3A_52 = arith.constant 0 : i32
    %dma_wait3A_53 = arith.constant 0 : i32
    %dma_wait3A_54 = tpu.memref_slice %arg11[%dma_wait3A_43, %dma_wait3A_52, %dma_wait3A_53] : memref<2x2x1024xf32, #tpu.memory_space<vmem>> -> memref<1x2x1024xf32, #tpu.memory_space<vmem>>
    %dma_wait3A_55 = tpu.memref_squeeze %dma_wait3A_54 : memref<1x2x1024xf32, #tpu.memory_space<vmem>> -> memref<2x1024xf32, #tpu.memory_space<vmem>>
    tpu.wait_dma2 semaphore(%arg15 : memref<!tpu.dma_semaphore, #tpu.memory_space<semaphore_mem>>) src(%dma_wait3A_55 : memref<2x1024xf32, #tpu.memory_space<vmem>>) dst(%dma_wait3A_51 : memref<2x1024xf32, #tpu.memory_space<hbm>>)
    return
  }
}

</mosaic_0001>

<sc_bundles>
// kernel: _sae_decode.3.cloned.1.call-start
scs
__scs_entry_jumppad:
0x0: {  	(pc) =	sbr.rel $0x88, $3  }
0x1: {  	(tag) =	ssettag $0x0;
	lr =	simm.s32 $0x1  }
0x2: {  	[smem:$0x3F9D] =	sst lr;
	_ =	strace $0xD0000000  }
0x3: {  	_ = 	snop  }
0x4: {  	_ = 	snop  }
0x5: {  	_ = 	snop  }
0x6: {  	_ = 	snop  }
0x7: {  	_ = 	snop  }
__scs_overlays_trampoline_lowered:
0x8: {  	[smem:$0x3FAC] =	sst s0  }
0x9: {  	[smem:$0x3FAD] =	sst s1  }
0xa: {  	[smem:$0x3FAE] =	sst s2  }
0xb: {  	[smem:$0x3FAF] =	sst s3  }
0xc: {  	[smem:$0x3FB0] =	sst s4  }
0xd: {  	[smem:$0x3FB1] =	sst s5  }
0xe: {  	[smem:$0x3FB2] =	sst s6  }
0xf: {  	[smem:$0x3FB3] =	sst s7  }
0x10: {  	[smem:$0x3FB4] =	sst s8  }
0x11: {  	[smem:$0x3FB5] =	sst s9;
	s0 =	simm.s32 @!p0 $0x0  }
0x12: {  	s1 =	sld [smem:$0x3F9B];
	s0 =	simm.s32 @p0 $0x1  }
0x13: {  	[smem:$0x3FB6] =	sst s0;
	s0 =	simm.s32 @!p1 $0x0  }
0x14: {  	s2 =	sld [smem:$0x3F9A];
	s0 =	simm.s32 @p1 $0x1  }
0x15: {  	[smem:$0x3FB7] =	sst s0;
	s0 =	simm.s32 @!p2 $0x0  }
0x16: {  	s3 =	sld [smem:$0x3FDB];
	s0 =	simm.s32 @p2 $0x1  }
0x17: {  	s4 =	simm.s32 $0x1BF5;
	[smem:$0x3FB9] =	sst s0  }
0x18: {  	s0 =	sld [smem:$0x3F9C];
	_ =	swait.ge [sflag:s4], $0x0  }
0x19: {  	s7 =	sld [smem:$0x3F9D]  }
0x1a: {  	s8 =	sadd.s32 $0xFFFFE003, lr  }
0x1b: {  	s9 =	sadd.s32 $0xFFFFFEF7, lr;
	s5 =	simm.s32 $0xFFFFFFFF;
	p2 =	slt.u32 s8, $0xFFFFF086  }
0x1c: {  	p1 =	slt.u32 s9, $0xF7A;
	s5 =	simm.s32 @!p2 $0x0  }
0x1d: {  	s5 =	simm.s32 @p1 $0x1;
	p0 =	seq.s32 s7, s2  }
0x1e: {  	s7 =	smul.u32 @!p0 $0xF7A, s2;
	p2 =	seq.s32 @!p0 s5, $0x0  }
0x1f: {  	s9 =	smul.u32 $0xF7A, s1;
	s8 =	simm.s32 @!p0 $0x1BF5;
	p2 =	por !p2, p0  }
0x20: {  	[sflag:s8] =	ssyncset.s32 @!p0 $0xFFFFF086;
	s6 =	sadd.s32 @!p0 s3, s7;
	s7 =	simm.s32 @!p0 $0x108  }
0x21: {  	s3 =	sadd.s32 s3, s9;
	s6 =	sadd.s32 @!p0 $0x88, s6;
	s7 =	simm.s32 @p2 $0x1082  }
0x22: {  	[simem:s7], [sflag:s8] =	dma.local @!p0 [hbm:s6], $0xF7A  }
0x23: {  	s9 =	sor.u32 $0xD0000000, s2;
	s6 =	simm.s32 $0x108;
	_ =	swait.ge @!p0 [sflag:s8], $0x0  }
0x24: {  	s3 =	sadd.s32 $0x88, s3;
	s6 =	simm.s32 @!p1 $0x1082;
	[sflag:s4] =	ssyncset.s32 $0xFFFFF086  }
0x25: {  	[simem:s6], [sflag:s4] =	dma.local [hbm:s3], $0xF7A  }
0x26: {  	[smem:$0x3F9D] =	sst s1;
	(tag) =	ssettag s2;
	_ =	strace s9  }
0x27: {  	s1 =	sld [smem:$0x3FAD]  }
0x28: {  	s2 =	sld [smem:$0x3FAE]  }
0x29: {  	s4 =	sld [smem:$0x3FB0]  }
0x2a: {  	p0 =	seq.s32 s5, $0x0;
	s5 =	sld [smem:$0x3FB1]  }
0x2b: {  	s6 =	sld [smem:$0x3FB2]  }
0x2c: {  	s7 =	sld [smem:$0x3FB3]  }
0x2d: {  	s3 =	simm.s32 $0x108;
	s8 =	sld [smem:$0x3FB4]  }
0x2e: {  	s3 =	simm.s32 @!p0 $0x1082;
	s9 =	sld [smem:$0x3FB5]  }
0x2f: {  	lr =	sadd.s32 s0, s3;
	s0 =	sld [smem:$0x3FAC]  }
0x30: {  	s3 =	sld [smem:$0x3FAF]  }
0x31: {  	[smem:$0x3FB8] =	sst s10  }
0x32: {  	s10 =	sld [smem:$0x3FB6];
	_ =	sdelay $0x3  }
0x33: {  	p0 =	seq.s32 s10, $0x1;
	s10 =	sld [smem:$0x3FB8];
	_ =	sdelay $0x3  }
0x34: {  	[smem:$0x3FB8] =	sst s10  }
0x35: {  	s10 =	sld [smem:$0x3FB7];
	_ =	sdelay $0x3  }
0x36: {  	p1 =	seq.s32 s10, $0x1;
	s10 =	sld [smem:$0x3FB8];
	_ =	sdelay $0x3  }
0x37: {  	[smem:$0x3FB8] =	sst s10  }
0x38: {  	s10 =	sld [smem:$0x3FB9]  }
0x39: {  	_ = 	snop;
	(pc) =	sbr.ind lr, $3  }
0x3a: {  	_ = 	snop  }
0x3b: {  	_ = 	snop  }
0x3c: {  	p2 =	seq.s32 s10, $0x1;
	s10 =	sld [smem:$0x3FB8]  }
0x3d: {  	_ =	shalt  }
0x3e: {  	_ =	shalt  }
0x3f: {  	_ =	shalt  }
0x40: {  	_ =	shalt  }
0x41: {  	_ =	shalt  }
0x42: {  	_ =	shalt  }
0x43: {  	_ =	shalt  }
0x44: {  	_ =	shalt  }
0x45: {  	_ =	shalt  }
0x46: {  	_ =	shalt  }
0x47: {  	_ =	shalt  }
0x48: {  	_ =	shalt  }
0x49: {  	_ =	shalt  }
0x4a: {  	_ =	shalt  }
0x4b: {  	_ =	shalt  }
0x4c: {  	_ =	shalt  }
0x4d: {  	_ =	shalt  }
0x4e: {  	_ =	shalt  }
0x4f: {  	_ =	shalt  }
0x50: {  	_ =	shalt  }
0x51: {  	_ =	shalt  }
0x52: {  	_ =	shalt  }
0x53: {  	_ =	shalt  }
0x54: {  	_ =	shalt  }
0x55: {  	_ =	shalt  }
0x56: {  	_ =	shalt  }
0x57: {  	_ =	shalt  }
0x58: {  	_ =	shalt  }
0x59: {  	_ =	shalt  }
0x5a: {  	_ =	shalt  }
0x5b: {  	_ =	shalt  }
0x5c: {  	_ =	shalt  }
0x5d: {  	_ =	shalt  }
0x5e: {  	_ =	shalt  }
0x5f: {  	_ =	shalt  }
0x60: {  	_ =	shalt  }
0x61: {  	_ =	shalt  }
0x62: {  	_ =	shalt  }
0x63: {  	_ =	shalt  }
0x64: {  	_ =	shalt  }
0x65: {  	_ =	shalt  }
0x66: {  	_ =	shalt  }
0x67: {  	_ =	shalt  }
0x68: {  	_ =	shalt  }
0x69: {  	_ =	shalt  }
0x6a: {  	_ =	shalt  }
0x6b: {  	_ =	shalt  }
0x6c: {  	_ =	shalt  }
0x6d: {  	_ =	shalt  }
0x6e: {  	_ =	shalt  }
0x6f: {  	_ =	shalt  }
0x70: {  	_ =	shalt  }
0x71: {  	_ =	shalt  }
0x72: {  	_ =	shalt  }
0x73: {  	_ =	shalt  }
0x74: {  	_ =	shalt  }
0x75: {  	_ =	shalt  }
0x76: {  	_ =	shalt  }
0x77: {  	_ =	shalt  }
0x78: {  	_ =	shalt  }
0x79: {  	_ =	shalt  }
0x7a: {  	_ =	shalt  }
0x7b: {  	_ =	shalt  }
0x7c: {  	_ =	shalt  }
0x7d: {  	_ =	shalt  }
0x7e: {  	_ =	shalt  }
0x7f: {  	_ =	shalt  }
0x80: {  	_ =	shalt  }
0x81: {  	_ =	shalt  }
0x82: {  	_ =	shalt  }
0x83: {  	_ =	shalt  }
0x84: {  	_ =	shalt  }
0x85: {  	_ =	shalt  }
0x86: {  	_ =	shalt  }
0x87: {  	_ =	shalt  }
.Lfunc_end0:
.L_simem_size_0:
called_computation_lowered:
.L_overlay_start_0:
0x88: {  	s2 =	sld [smem:$0x3FD9]  }
0x89: {  	s3 =	sld [smem:$0x3FFE];
	_ =	sdelay $0x1  }
0x8a: {  	s1 =	srdreg.scid  }
0x8b: {  	s0 =	sand.u32 $0x1, s1  }
0x8c: {  	s18 =	sshll.u32 s0, $0xA;
	s2 =	sadd.s32 s3, s2  }
0x8d: {  	s2 =	sadd.s32 s2, s18  }
0x8e: {  	[smem:$0x3FC4] =	sst s2  }
0x8f: {  	_ = 	snop  }
0x90: {  	s2 =	sld [smem:$0x3FC9]  }
0x91: {  	s19 =	sld [smem:$0x3FC8]  }
0x92: {  	s4 =	sld [smem:$0x3FC7]  }
0x93: {  	s5 =	sld [smem:$0x3FC6]  }
0x94: {  	s6 =	sld [smem:$0x3FD0];
	(tm) =	ssettm $0x1  }
0x95: {  	s7 =	sld [smem:$0x3FFB];
	_ =	sdelay $0x3  }
0x96: {  	_ =	strace s7  }
0x97: {  	s7 =	sld [smem:$0x3FFC];
	_ =	sdelay $0x3  }
0x98: {  	_ =	strace s7  }
0x99: {  	s7 =	sld [smem:$0x3FFD];
	_ =	sdelay $0x3  }
0x9a: {  	_ =	strace s7  }
0x9b: {  	_ =	strace $0x8FFFFFFF  }
0x9c: {  	s20 =	sld [smem:$0x3FDB];
	_ =	sdelay $0x1  }
0x9d: {  	s8 =	simm.s32 $_scs_section_size  }
0x9e: {  	s9 =	simm.s32 $_size__tile_overlayer_lowered;
	s10 =	simm.s32 $_tile_overlayer_lowered  }
0x9f: {  	s23 =	simm.s32 $0x1BFF;
	s22 =	sshll.u32 s10, $0x1;
	s7 =	sadd.s32 s8, s20  }
0xa0: {  	s11 =	simm.s32 $0x0;
	s21 =	sshll.u32 s9, $0x1;
	s9 =	sadd.s32 s22, s7  }
0xa1: {  	[timem:s11], [sflag:s23] =	dma.local [hbm:s9], s21  }
0xa2: {  	_ =	swait.ge [sflag:s23], s21  }
0xa3: {  	s8 =	ssub.s32 $0x0, s21;
	[sflag:s23] =	ssyncset.done $0x0  }
0xa4: {  	[sflag:s23] =	ssyncadd.s32 s8;
	_ =	sdelay $0x1  }
0xa5: {  	s24 =	simm.s32 $0x1B8B  }
0xa6: {  	_ =	swait.ge [sflag:s24], $0x1  }
0xa7: {  	[sflag:s24] =	ssyncset.done $0x0  }
0xa8: {  	s25 =	simm.s32 $0x1B8E;
	[sflag:s24] =	ssyncadd.s32 $0xFFFFFFFF  }
0xa9: {  	s26 =	simm.s32 $execute0_lowered;
	[smem:$0x3FD2] =	sst s25  }
0xaa: {  	s8 =	sshll.u32 s26, $0x1;
	_ =	strace $0x80000046;
	[dreg:$0x1] =	wrdreg $0xFFFFFFFF  }
0xab: {  	s28 =	simm.s32 $_size_execute0_lowered;
	s7 =	sadd.s32 s7, s8;
	[dreg:$0x0] =	wrdreg $0x0  }
0xac: {  	s8 =	sshll.u32 s28, $0x1;
	[dreg:$0x2] =	wrdreg s7  }
0xad: {  	[dreg:$0x3] =	wrdreg s8  }
0xae: {  	[dreg:$0x4] =	wrdreg $0xC0  }
0xaf: {  	_ =	task [dreg:s11], $0x5FFFF  }
0xb0: {  	[dreg:$0x1] =	wrdreg $0xFFFFFFFF  }
0xb1: {  	[dreg:$0x0] =	wrdreg $0x60  }
0xb2: {  	[dreg:$0x2] =	wrdreg s2  }
0xb3: {  	[dreg:$0x3] =	wrdreg s19  }
0xb4: {  	[dreg:$0x4] =	wrdreg s4  }
0xb5: {  	[dreg:$0x5] =	wrdreg s5  }
0xb6: {  	[dreg:$0x6] =	wrdreg s6  }
0xb7: {  	[dreg:$0x7] =	wrdreg $0x9  }
0xb8: {  	_ =	task.clear_ibuf [dreg:s11], $0x8FFFF;
	_ =	strace $0x90000046  }
0xb9: {  	s29 =	simm.s32 $0x9;
	_ =	strace $0x80000048  }
0xba: {  	_ =	swait.ge [sflag:s29], $0x1  }
0xbb: {  	[sflag:s29] =	ssyncadd.s32 $0xFFFFFFFF  }
0xbc: {  	_ =	strace $0x90000048  }
0xbd: {  	_ =	sfence  }
0xbe: {  	s30 =	sld [smem:$0x0];
	_ =	sdelay $0x2  }
0xbf: {  	s31 =	sshll.u32 s1, $0xD;
	s1 =	sshrl.u32 s1, $0x2  }
0xc0: {  	s3 =	sand.u32 $0x4000, s31;
	s1 =	sadd.s32 s1, s30  }
0xc1: {  	s0 =	sor.u32 s3, s0;
	s1 =	sshll.u32 s1, $0x11  }
0xc2: {  	s0 =	sor.u32 s1, s0  }
0xc3: {  	s0 =	sadd.s32 $0x8F2B, s0  }
0xc4: {  	[sflag:s0] =	ssyncadd.remote.s32 $0x1  }
0xc5: {  	_ =	sfence.sel $0xFFFF  }
0xc6: {  	[dreg:$0x0] =	wrdreg $0xFFFFFFFF;
	(pc) =	sbr.abs _section_cstart, $3  }
0xc7: {  	[dreg:$0x1] =	wrdreg $0xFFFFFFFF  }
0xc8: {  	_ =	task.clear_ibuf [dreg:s11], $0x2FFFF;
	_ =	strace $0x9FFFFFFF  }
0xc9: {  	(tm) =	ssettm $0x7FFFFFFF  }
tec
execute0_lowered:
.L_overlay_start_1:
0x0: {  	(tag) =	ssettag $0x1  }
0x1: {  	s0 =	rddreg [dreg:$0x0]  }
0x2: {  	s2 =	rddreg [dreg:$0x1]  }
0x3: {  	s1 =	rddreg [dreg:$0x2]  }
0x4: {  	s4 =	rddreg [dreg:$0x4];
	s3 =	srdreg.scid  }
0x5: {  	s6 =	stileid.u32;
	s5 =	simm.s32 $0x0;
	s15 =	simm.s32 $0x1  }
0x6: {  	s31 =	simm.s32 $0x100;
	s12 =	simm.s32 $0x0;
	s3 =	sand.u32 $0x1, s3  }
0x7: {  	s6 =	sshll.u32 s6, $0x1;
	[smem:$0x7FF] =	sst s5;
	s9 =	sadd.s32 $0x100, s1  }
0x8: {  	s10 =	sadd.s32 $0x200, s1;
	s7 =	ssub.s32 $0x2, s3;
	s3 =	sor.u32 s3, s6  }
0x9: {  	s11 =	sadd.s32 $0x300, s1;
	_ =	strace $0x80000047;
	s8 =	sshll.u32 s3, $0x8  }
0xa: {  	s29 =	sshrl.u32 s7, $0x1;
	s6 =	sshll.u32 s3, $0xE;
	s2 =	sadd.s32 s2, s8  }
0xb: {  	v2 =	vlaneseq.u32;
	s7 =	ssub.s32 s7, s29;
	s0 =	sadd.s32 s0, s8;
	[dreg:$0x6] =	wrdreg s2  }
0xc: {  	vm0 =	vmmov $0xffff;
	v1 =	vshrl.u32 v2, $0x3;
	s8 =	simm.s32 $0x3;
	[dreg:$0x7] =	wrdreg s0;
	s30 =	smax.u32 s7, $0x1  }
0xd: {  	v0 =	vand.u32 $0x7, v2;
	v2 =	vor.u32 $0x8, v2;
	v1 =	vmul.u32 $0x8, v1;
	s2 =	simm.s32 $0x2;
	s0 =	simm.s32 $0x400;
	[dreg:$0x8] =	wrdreg s30  }
.LBB2_1:
0xe: {  	[dreg:$0x9] =	wrdreg s12  }
0xf: {  	s3 =	rddreg [dreg:$0x6];
	s7 =	simm.s32 $0x800  }
0x10: {  	[tilespmem:s7], [sflag:$0x1] =	stream.linear.gather [hbm4b:s3+s5], $0x800, $0x38;
	[tilespmem:$0x12400] =	vst v63  }
0x11: {  	s30 =	rddreg [dreg:$0x7]  }
0x12: {  	[tilespmem:s5], [sflag:$0x2] =	stream.linear.gather [hbm4b:s30+s5], $0x800, $0x38;
	[tilespmem:$0x12400] =	vst v63  }
0x13: {  	s12 =	simm.s32 $0x1000;
	s7 =	rddreg [dreg:$0x3]  }
0x14: {  	[tilespmem:s12], [sflag:$0x3] =	stream.linear.gather [hbm4b:s7+s5], $0x400, $0x38;
	[tilespmem:$0x12400] =	vst v63  }
0x15: {  	_ =	swait.ge [sflag:s15], $0x800  }
0x16: {  	[sflag:s15] =	ssyncset.done $0x0  }
0x17: {  	[sflag:s15] =	ssyncadd.s32 $0xFFFFF800  }
0x18: {  	v3 =	vld [tilespmem:$0x800];
	_ =	sdelay $0x4  }
0x19: {  	v4 =	vshll.u32 v3, $0x3  }
0x1a: {  	v3 =	vand.u32 $0x7, v3;
	v4 =	vand.u32 $0xFFFFFFC0, v4  }
0x1b: {  	v3 =	vor.u32 v3, v4  }
0x1c: {  	v4 =	vperm.xlane v3, v0;
	_ =	sdelay $0x1  }
0x1d: {  	v4 =	vadd.s32 v1, v4;
	_ =	sdelay $0x3  }
0x1e: {  	s13 =	simm.s32 $0x1400  }
0x1f: {  	[tilespmem:s13], [sflag:$0x1] =	stream.indirect_vreg.gather [hbm4b:s1+s5], $0x80, v4, vm0, $0xb8;
	[tilespmem:$0x12400] =	vst v63  }
0x20: {  	s14 =	simm.s32 $0x1C00;
	v3 =	vperm.xlane v3, v2  }
0x21: {  	[tilespmem:s14], [sflag:$0x1] =	stream.indirect_vreg.gather [hbm4b:s9+s5], $0x80, v4, vm0, $0xb8;
	[tilespmem:$0x12400] =	vst v63  }
0x22: {  	s16 =	simm.s32 $0x2400;
	v3 =	vadd.s32 v1, v3  }
0x23: {  	[tilespmem:s16], [sflag:$0x1] =	stream.indirect_vreg.gather [hbm4b:s10+s5], $0x80, v4, vm0, $0xb8;
	[tilespmem:$0x12400] =	vst v63  }
0x24: {  	s17 =	simm.s32 $0x2C00  }
0x25: {  	[tilespmem:s17], [sflag:$0x1] =	stream.indirect_vreg.gather [hbm4b:s11+s5], $0x80, v4, vm0, $0xb8;
	[tilespmem:$0x12400] =	vst v63  }
0x26: {  	s18 =	simm.s32 $0x3400  }
0x27: {  	[tilespmem:s18], [sflag:$0x1] =	stream.indirect_vreg.gather [hbm4b:s1+s5], $0x80, v3, vm0, $0xb8;
	[tilespmem:$0x12400] =	vst v63  }
0x28: {  	s19 =	simm.s32 $0x3C00  }
0x29: {  	[tilespmem:s19], [sflag:$0x1] =	stream.indirect_vreg.gather [hbm4b:s9+s5], $0x80, v3, vm0, $0xb8;
	[tilespmem:$0x12400] =	vst v63  }
0x2a: {  	s20 =	simm.s32 $0x4400  }
0x2b: {  	[tilespmem:s20], [sflag:$0x1] =	stream.indirect_vreg.gather [hbm4b:s10+s5], $0x80, v3, vm0, $0xb8;
	[tilespmem:$0x12400] =	vst v63  }
0x2c: {  	s21 =	simm.s32 $0x4C00  }
0x2d: {  	[tilespmem:s21], [sflag:$0x1] =	stream.indirect_vreg.gather [hbm4b:s11+s5], $0x80, v3, vm0, $0xb8;
	[tilespmem:$0x12400] =	vst v63  }
0x2e: {  	v3 =	vld [tilespmem:$0x810];
	_ =	sdelay $0x4  }
0x2f: {  	v63 =	vshll.u32 v3, $0x3  }
0x30: {  	v3 =	vand.u32 $0x7, v3;
	v4 =	vand.u32 $0xFFFFFFC0, v63  }
0x31: {  	v3 =	vor.u32 v3, v4  }
0x32: {  	v4 =	vperm.xlane v3, v0;
	_ =	sdelay $0x1  }
0x33: {  	v4 =	vadd.s32 v1, v4;
	_ =	sdelay $0x3  }
0x34: {  	s22 =	simm.s32 $0x5400  }
0x35: {  	[tilespmem:s22], [sflag:$0x1] =	stream.indirect_vreg.gather [hbm4b:s1+s5], $0x80, v4, vm0, $0xb8;
	[tilespmem:$0x12400] =	vst v63  }
0x36: {  	s23 =	simm.s32 $0x5C00;
	v3 =	vperm.xlane v3, v2  }
0x37: {  	[tilespmem:s23], [sflag:$0x1] =	stream.indirect_vreg.gather [hbm4b:s9+s5], $0x80, v4, vm0, $0xb8;
	[tilespmem:$0x12400] =	vst v63  }
0x38: {  	s24 =	simm.s32 $0x6400;
	v3 =	vadd.s32 v1, v3  }
0x39: {  	[tilespmem:s24], [sflag:$0x1] =	stream.indirect_vreg.gather [hbm4b:s10+s5], $0x80, v4, vm0, $0xb8;
	[tilespmem:$0x12400] =	vst v63  }
0x3a: {  	s25 =	simm.s32 $0x6C00  }
0x3b: {  	[tilespmem:s25], [sflag:$0x1] =	stream.indirect_vreg.gather [hbm4b:s11+s5], $0x80, v4, vm0, $0xb8;
	[tilespmem:$0x12400] =	vst v63  }
0x3c: {  	s26 =	simm.s32 $0x7400  }
0x3d: {  	[tilespmem:s26], [sflag:$0x1] =	stream.indirect_vreg.gather [hbm4b:s1+s5], $0x80, v3, vm0, $0xb8;
	[tilespmem:$0x12400] =	vst v63  }
0x3e: {  	s28 =	simm.s32 $0x7C00  }
0x3f: {  	[tilespmem:s28], [sflag:$0x1] =	stream.indirect_vreg.gather [hbm4b:s9+s5], $0x80, v3, vm0, $0xb8;
	[tilespmem:$0x12400] =	vst v63  }
0x40: {  	s29 =	simm.s32 $0x8400  }
0x41: {  	[tilespmem:s29], [sflag:$0x1] =	stream.indirect_vreg.gather [hbm4b:s10+s5], $0x80, v3, vm0, $0xb8;
	[tilespmem:$0x12400] =	vst v63  }
0x42: {  	s30 =	simm.s32 $0x8C00  }
0x43: {  	[tilespmem:s30], [sflag:$0x1] =	stream.indirect_vreg.gather [hbm4b:s11+s5], $0x80, v3, vm0, $0xb8;
	[tilespmem:$0x12400] =	vst v63  }
0x44: {  	_ =	swait.ge [sflag:s2], $0x800  }
0x45: {  	[sflag:s2] =	ssyncset.done $0x0  }
0x46: {  	[sflag:s2] =	ssyncadd.s32 $0xFFFFF800  }
0x47: {  	_ =	swait.ge [sflag:s8], $0x400  }
0x48: {  	[sflag:s8] =	ssyncset.done $0x0  }
0x49: {  	s3 =	simm.s32 $0x0;
	[sflag:s8] =	ssyncadd.s32 $0xFFFFFC00  }
.LBB2_2:
0x4a: {  	s13 =	sshll.u32 s3, $0x6  }
0x4b: {  	v3 =	vld [tilespmem:s13+$0x820];
	_ =	sdelay $0x4  }
0x4c: {  	v4 =	vshll.u32 v3, $0x3  }
0x4d: {  	v3 =	vand.u32 $0x7, v3;
	v4 =	vand.u32 $0xFFFFFFC0, v4  }
0x4e: {  	v3 =	vor.u32 v3, v4  }
0x4f: {  	v4 =	vperm.xlane v3, v0;
	_ =	sdelay $0x1  }
0x50: {  	v4 =	vadd.s32 v1, v4;
	_ =	sdelay $0x3  }
0x51: {  	s7 =	simm.s32 $0x9400  }
0x52: {  	[tilespmem:s7], [sflag:$0x2] =	stream.indirect_vreg.gather [hbm4b:s1+s5], $0x80, v4, vm0, $0xb8;
	[tilespmem:$0x12400] =	vst v63  }
0x53: {  	s25 =	simm.s32 $0x9C00;
	v3 =	vperm.xlane v3, v2  }
0x54: {  	[tilespmem:s25], [sflag:$0x2] =	stream.indirect_vreg.gather [hbm4b:s9+s5], $0x80, v4, vm0, $0xb8;
	[tilespmem:$0x12400] =	vst v63  }
0x55: {  	s26 =	simm.s32 $0xA400;
	v3 =	vadd.s32 v1, v3  }
0x56: {  	[tilespmem:s26], [sflag:$0x2] =	stream.indirect_vreg.gather [hbm4b:s10+s5], $0x80, v4, vm0, $0xb8;
	[tilespmem:$0x12400] =	vst v63  }
0x57: {  	s28 =	simm.s32 $0xAC00  }
0x58: {  	[tilespmem:s28], [sflag:$0x2] =	stream.indirect_vreg.gather [hbm4b:s11+s5], $0x80, v4, vm0, $0xb8;
	[tilespmem:$0x12400] =	vst v63  }
0x59: {  	s29 =	simm.s32 $0xB400  }
0x5a: {  	[tilespmem:s29], [sflag:$0x2] =	stream.indirect_vreg.gather [hbm4b:s1+s5], $0x80, v3, vm0, $0xb8;
	[tilespmem:$0x12400] =	vst v63  }
0x5b: {  	s30 =	simm.s32 $0xBC00  }
0x5c: {  	[tilespmem:s30], [sflag:$0x2] =	stream.indirect_vreg.gather [hbm4b:s9+s5], $0x80, v3, vm0, $0xb8;
	[tilespmem:$0x12400] =	vst v63  }
0x5d: {  	s8 =	simm.s32 $0xC400  }
0x5e: {  	[tilespmem:s8], [sflag:$0x2] =	stream.indirect_vreg.gather [hbm4b:s10+s5], $0x80, v3, vm0, $0xb8;
	[tilespmem:$0x12400] =	vst v63  }
0x5f: {  	s12 =	simm.s32 $0xCC00  }
0x60: {  	[tilespmem:s12], [sflag:$0x2] =	stream.indirect_vreg.gather [hbm4b:s11+s5], $0x80, v3, vm0, $0xb8;
	[tilespmem:$0x12400] =	vst v63  }
0x61: {  	v3 =	vld [tilespmem:s13+$0x830];
	_ =	sdelay $0x4  }
0x62: {  	v4 =	vshll.u32 v3, $0x3  }
0x63: {  	v3 =	vand.u32 $0x7, v3;
	v4 =	vand.u32 $0xFFFFFFC0, v4  }
0x64: {  	v3 =	vor.u32 v3, v4  }
0x65: {  	v4 =	vperm.xlane v3, v0;
	_ =	sdelay $0x1  }
0x66: {  	v4 =	vadd.s32 v1, v4;
	_ =	sdelay $0x3  }
0x67: {  	s14 =	simm.s32 $0xD400  }
0x68: {  	[tilespmem:s14], [sflag:$0x2] =	stream.indirect_vreg.gather [hbm4b:s1+s5], $0x80, v4, vm0, $0xb8;
	[tilespmem:$0x12400] =	vst v63  }
0x69: {  	s16 =	simm.s32 $0xDC00;
	v3 =	vperm.xlane v3, v2  }
0x6a: {  	[tilespmem:s16], [sflag:$0x2] =	stream.indirect_vreg.gather [hbm4b:s9+s5], $0x80, v4, vm0, $0xb8;
	[tilespmem:$0x12400] =	vst v63  }
0x6b: {  	s17 =	simm.s32 $0xE400;
	v3 =	vadd.s32 v1, v3  }
0x6c: {  	[tilespmem:s17], [sflag:$0x2] =	stream.indirect_vreg.gather [hbm4b:s10+s5], $0x80, v4, vm0, $0xb8;
	[tilespmem:$0x12400] =	vst v63  }
0x6d: {  	s18 =	simm.s32 $0xEC00  }
0x6e: {  	[tilespmem:s18], [sflag:$0x2] =	stream.indirect_vreg.gather [hbm4b:s11+s5], $0x80, v4, vm0, $0xb8;
	[tilespmem:$0x12400] =	vst v63  }
0x6f: {  	s19 =	simm.s32 $0xF400  }
0x70: {  	[tilespmem:s19], [sflag:$0x2] =	stream.indirect_vreg.gather [hbm4b:s1+s5], $0x80, v3, vm0, $0xb8;
	[tilespmem:$0x12400] =	vst v63  }
0x71: {  	s20 =	simm.s32 $0xFC00  }
0x72: {  	[tilespmem:s20], [sflag:$0x2] =	stream.indirect_vreg.gather [hbm4b:s9+s5], $0x80, v3, vm0, $0xb8;
	[tilespmem:$0x12400] =	vst v63  }
0x73: {  	s21 =	simm.s32 $0x10400  }
0x74: {  	[tilespmem:s21], [sflag:$0x2] =	stream.indirect_vreg.gather [hbm4b:s10+s5], $0x80, v3, vm0, $0xb8;
	[tilespmem:$0x12400] =	vst v63  }
0x75: {  	s22 =	simm.s32 $0x10C00  }
0x76: {  	[tilespmem:s22], [sflag:$0x2] =	stream.indirect_vreg.gather [hbm4b:s11+s5], $0x80, v3, vm0, $0xb8;
	[tilespmem:$0x12400] =	vst v63  }
0x77: {  	v12 =	vld [tilespmem:s13+$0x0]  }
0x78: {  	v34 =	vld [tilespmem:s13+$0x10];
	_ =	swait.ge [sflag:s15], $0x8000  }
0x79: {  	p0 =	seq.s32 s3, $0x0;
	[sflag:s15] =	ssyncset.done $0x0  }
0x7a: {  	s12 =	simm.s32 @!p0 $0x3;
	[sflag:s15] =	ssyncadd.s32 $0xFFFF8000  }
0x7b: {  	s23 =	simm.s32 $0x10;
	s14 =	simm.s32 $0x80;
	_ =	swait.ge @!p0 [sflag:s12], $0x800  }
0x7c: {  	s7 =	sand.u32 $0x70, s23;
	s14 =	sand.u32 $0x3FFFFC00, s14;
	[sflag:s12] =	ssyncset.done @!p0 $0x0  }
0x7d: {  	s24 =	sor.u32 s7, s14;
	[sflag:s12] =	ssyncadd.s32 @!p0 $0xFFFFF800  }
0x7e: {  	s25 =	simm.s32 $0x0;
	s16 =	simm.s32 $0x0;
	s17 =	simm.s32 $0x1020;
	v3 =	vld [tilespmem:s24+$0x1400]  }
0x7f: {  	s14 =	sand.u32 $0x3FFFFC00, s25;
	s20 =	sand.u32 $0x70, s16;
	v23 =	vld [tilespmem:s17+$0xFFFFFFF0]  }
0x80: {  	s26 =	simm.s32 $0x100;
	s18 =	simm.s32 $0x20;
	s14 =	sor.u32 s20, s14;
	v4 =	vld [tilespmem:s24+$0x1480]  }
0x81: {  	s19 =	sand.u32 $0x70, s18;
	s16 =	sand.u32 $0x3FFFFC00, s26;
	v19 =	vld [tilespmem:s14+$0x1400]  }
0x82: {  	s16 =	sor.u32 s19, s16;
	v5 =	vld [tilespmem:s24+$0x1500]  }
0x83: {  	v20 =	vld [tilespmem:s16+$0x1400]  }
0x84: {  	v17 =	vbroadcast v12, $0x0;
	v6 =	vld [tilespmem:s24+$0x1580]  }
0x85: {  	v21 =	vld [tilespmem:s14+$0x1480]  }
0x86: {  	v18 =	vbroadcast v12, $0x1;
	v7 =	vld [tilespmem:s24+$0x1600];
	v3 =	vmul.f32 v3, v17  }
0x87: {  	v22 =	vld [tilespmem:s16+$0x1480]  }
0x88: {  	v16 =	vbroadcast v12, $0x2;
	v32 =	vld [tilespmem:s17+$0xFFFFFFE0];
	v4 =	vmul.f32 v4, v18;
	v3 =	vadd.f32 v3, v23  }
0x89: {  	v33 =	vld [tilespmem:s17+$0x0]  }
0x8a: {  	v15 =	vbroadcast v12, $0x3;
	v24 =	vld [tilespmem:s14+$0x1500];
	v3 =	vadd.f32 v4, v3;
	v4 =	vmul.f32 v5, v16  }
0x8b: {  	v5 =	vld [tilespmem:s24+$0x1680]  }
0x8c: {  	v14 =	vbroadcast v12, $0x4;
	v25 =	vld [tilespmem:s16+$0x1500];
	v3 =	vadd.f32 v4, v3;
	v4 =	vmul.f32 v6, v15  }
0x8d: {  	v6 =	vld [tilespmem:s24+$0x1700]  }
0x8e: {  	v13 =	vbroadcast v12, $0x5;
	v26 =	vld [tilespmem:s14+$0x1580];
	v3 =	vadd.f32 v4, v3;
	v4 =	vmul.f32 v7, v14  }
0x8f: {  	v7 =	vld [tilespmem:s24+$0x1780]  }
0x90: {  	v11 =	vbroadcast v12, $0x6;
	v27 =	vld [tilespmem:s24+$0x3500];
	v3 =	vadd.f32 v4, v3;
	v4 =	vmul.f32 v5, v13  }
0x91: {  	v5 =	vld [tilespmem:s24+$0x3400]  }
0x92: {  	v10 =	vbroadcast v12, $0x7;
	v28 =	vld [tilespmem:s16+$0x1580];
	v3 =	vadd.f32 v4, v3;
	v4 =	vmul.f32 v6, v11  }
0x93: {  	v6 =	vld [tilespmem:s24+$0x3480]  }
0x94: {  	v9 =	vbroadcast v12, $0x8;
	v29 =	vld [tilespmem:s24+$0x3580];
	v3 =	vadd.f32 v4, v3;
	v4 =	vmul.f32 v7, v10  }
0x95: {  	v30 =	vld [tilespmem:s14+$0x1600]  }
0x96: {  	v8 =	vbroadcast v12, $0x9;
	v31 =	vld [tilespmem:s24+$0x3600];
	v3 =	vadd.f32 v4, v3;
	v4 =	vmul.f32 v5, v9  }
0x97: {  	v35 =	vld [tilespmem:s24+$0x3680]  }
0x98: {  	v36 =	vld [tilespmem:s14+$0x1680];
	v7 =	vbroadcast v12, $0xA;
	v3 =	vadd.f32 v4, v3;
	v4 =	vmul.f32 v6, v8  }
0x99: {  	v38 =	vld [tilespmem:s24+$0x3700];
	v19 =	vmul.f32 v19, v17;
	v20 =	vmul.f32 v20, v17  }
0x9a: {  	v52 =	vld [tilespmem:s16+$0x1680];
	v6 =	vbroadcast v12, $0xB;
	v3 =	vadd.f32 v4, v3;
	v4 =	vmul.f32 v27, v7  }
0x9b: {  	v39 =	vld [tilespmem:s24+$0x3780];
	v21 =	vmul.f32 v21, v18;
	v22 =	vmul.f32 v22, v18;
	v19 =	vadd.f32 v19, v32  }
0x9c: {  	v40 =	vld [tilespmem:s14+$0x1700];
	v5 =	vbroadcast v12, $0xC;
	v29 =	vmul.f32 v29, v6;
	v37 =	vadd.f32 v4, v3  }
0x9d: {  	v53 =	vld [tilespmem:s16+$0x1700];
	v20 =	vadd.f32 v20, v33;
	v19 =	vadd.f32 v21, v19;
	v21 =	vmul.f32 v24, v16  }
0x9e: {  	v41 =	vld [tilespmem:s14+$0x1780];
	v31 =	vmul.f32 v31, v5;
	v4 =	vbroadcast v12, $0xD;
	v29 =	vadd.f32 v29, v37  }
0x9f: {  	v20 =	vadd.f32 v22, v20;
	v24 =	vmul.f32 v25, v16;
	v19 =	vadd.f32 v21, v19;
	v27 =	vld [tilespmem:s16+$0x1600]  }
0xa0: {  	v55 =	vld [tilespmem:s14+$0x3580];
	v3 =	vbroadcast v12, $0xE;
	v29 =	vadd.f32 v31, v29;
	v31 =	vmul.f32 v35, v4  }
0xa1: {  	v58 =	vld [tilespmem:s16+$0x3580];
	v21 =	vmul.f32 v26, v15;
	v20 =	vadd.f32 v24, v20;
	v24 =	vmul.f32 v28, v15  }
0xa2: {  	v60 =	vld [tilespmem:s14+$0x3600];
	v12 =	vbroadcast v12, $0xF;
	v29 =	vadd.f32 v31, v29;
	v31 =	vmul.f32 v38, v3  }
0xa3: {  	v62 =	vld [tilespmem:s14+$0x3680];
	v19 =	vadd.f32 v21, v19;
	v21 =	vmul.f32 v30, v14;
	v20 =	vadd.f32 v24, v20  }
0xa4: {  	v22 =	vld [tilespmem:s16+$0x1780];
	v24 =	vmul.f32 v27, v14;
	v29 =	vadd.f32 v31, v29;
	v31 =	vmul.f32 v39, v12  }
0xa5: {  	s21 =	simm.s32 $0x20;
	v25 =	vld [tilespmem:s14+$0x3400];
	v19 =	vadd.f32 v21, v19;
	v21 =	vmul.f32 v36, v13  }
0xa6: {  	s21 =	sand.u32 $0x3FFFFF00, s21;
	v26 =	vld [tilespmem:s16+$0x3400];
	v20 =	vadd.f32 v24, v20;
	v24 =	vmul.f32 v52, v13;
	v29 =	vadd.f32 v31, v29  }
0xa7: {  	s21 =	sor.u32 s7, s21;
	v28 =	vld [tilespmem:s14+$0x3480];
	v19 =	vadd.f32 v21, v19;
	v21 =	vmul.f32 v40, v11  }
0xa8: {  	v30 =	vld [tilespmem:s16+$0x3480];
	v20 =	vadd.f32 v24, v20;
	v24 =	vmul.f32 v53, v11;
	[tilespmem:s21+$0x11400] =	vst v29  }
0xa9: {  	v19 =	vadd.f32 v21, v19;
	v21 =	vmul.f32 v41, v10;
	v29 =	vld [tilespmem:s24+$0x5400]  }
0xaa: {  	v57 =	vmul.f32 v22, v10;
	v27 =	vld [tilespmem:s14+$0x3500];
	v24 =	vadd.f32 v24, v20  }
0xab: {  	v25 =	vmul.f32 v25, v9;
	v21 =	vadd.f32 v21, v19;
	v54 =	vld [tilespmem:s24+$0x5480]  }
0xac: {  	v22 =	vbroadcast v34, $0x0;
	v26 =	vmul.f32 v26, v9;
	v31 =	vld [tilespmem:s16+$0x3500];
	v24 =	vadd.f32 v57, v24  }
0xad: {  	v28 =	vmul.f32 v28, v8;
	v25 =	vadd.f32 v25, v21;
	v20 =	vbroadcast v34, $0x1;
	v56 =	vld [tilespmem:s24+$0x5500]  }
0xae: {  	v44 =	vld [tilespmem:s16+$0x3680];
	v24 =	vadd.f32 v26, v24;
	v26 =	vmul.f32 v30, v8;
	v29 =	vmul.f32 v29, v22  }
0xaf: {  	v19 =	vbroadcast v34, $0x2;
	v25 =	vadd.f32 v28, v25;
	v27 =	vmul.f32 v27, v7;
	v59 =	vld [tilespmem:s24+$0x5580]  }
0xb0: {  	v30 =	vld [tilespmem:s16+$0x3600];
	v24 =	vadd.f32 v26, v24;
	v26 =	vadd.f32 v29, v23;
	v29 =	vmul.f32 v54, v20  }
0xb1: {  	v45 =	vld [tilespmem:s14+$0x3700];
	v25 =	vadd.f32 v27, v25;
	v27 =	vmul.f32 v31, v7;
	v31 =	vmul.f32 v55, v6  }
0xb2: {  	v46 =	vld [tilespmem:s16+$0x3700];
	v21 =	vbroadcast v34, $0x3;
	v26 =	vadd.f32 v29, v26;
	v29 =	vmul.f32 v56, v19  }
0xb3: {  	v48 =	vld [tilespmem:s16+$0x3780];
	v27 =	vadd.f32 v27, v24;
	v25 =	vadd.f32 v31, v25;
	v31 =	vmul.f32 v58, v6  }
0xb4: {  	v38 =	vmul.f32 v60, v5;
	v61 =	vld [tilespmem:s24+$0x5600];
	v26 =	vadd.f32 v29, v26;
	v29 =	vmul.f32 v59, v21  }
0xb5: {  	v30 =	vmul.f32 v30, v5;
	v27 =	vadd.f32 v31, v27;
	v31 =	vld [tilespmem:s14+$0x3780]  }
0xb6: {  	v36 =	vmul.f32 v62, v4;
	v28 =	vld [tilespmem:s24+$0x5680];
	v26 =	vadd.f32 v29, v26;
	v29 =	vadd.f32 v38, v25  }
0xb7: {  	v63 =	vld [tilespmem:s24+$0x5700];
	v23 =	vbroadcast v34, $0x4;
	v27 =	vadd.f32 v30, v27;
	v30 =	vmul.f32 v44, v4  }
0xb8: {  	v49 =	vmul.f32 v45, v3;
	v47 =	vld [tilespmem:s24+$0x5780];
	v29 =	vadd.f32 v36, v29  }
0xb9: {  	v42 =	vld [tilespmem:s24+$0x7400];
	v24 =	vbroadcast v34, $0x5;
	v41 =	vmul.f32 v61, v23;
	v27 =	vadd.f32 v30, v27  }
0xba: {  	v51 =	vld [tilespmem:s24+$0x7480];
	v30 =	vmul.f32 v46, v3;
	v31 =	vmul.f32 v31, v12;
	v29 =	vadd.f32 v49, v29  }
0xbb: {  	s28 =	simm.s32 $0x0;
	v43 =	vld [tilespmem:s24+$0x7500];
	v28 =	vmul.f32 v28, v24;
	v25 =	vbroadcast v34, $0x6;
	v50 =	vadd.f32 v41, v26  }
0xbc: {  	s7 =	sand.u32 $0x3FFFFF00, s28;
	v52 =	vld [tilespmem:s24+$0x7580];
	v30 =	vadd.f32 v30, v27;
	v26 =	vbroadcast v34, $0x7;
	v29 =	vadd.f32 v31, v29  }
0xbd: {  	s7 =	sor.u32 s20, s7;
	v53 =	vld [tilespmem:s24+$0x7600];
	v35 =	vmul.f32 v63, v25;
	v28 =	vadd.f32 v28, v50;
	v31 =	vmul.f32 v48, v12  }
0xbe: {  	s29 =	simm.s32 $0x40;
	v55 =	vld [tilespmem:s24+$0x7680];
	v27 =	vbroadcast v34, $0x8;
	[tilespmem:s7+$0x11400] =	vst v29  }
0xbf: {  	s20 =	sand.u32 $0x3FFFFF00, s29;
	v54 =	vmul.f32 v47, v26;
	v28 =	vadd.f32 v35, v28;
	v30 =	vadd.f32 v31, v30;
	v56 =	vld [tilespmem:s14+$0x5400]  }
0xc0: {  	s19 =	sor.u32 s19, s20;
	v44 =	vld [tilespmem:s14+$0x5480]  }
0xc1: {  	v29 =	vbroadcast v34, $0x9;
	v28 =	vadd.f32 v54, v28;
	v31 =	vmul.f32 v42, v27;
	v45 =	vld [tilespmem:s14+$0x5500];
	[tilespmem:s19+$0x11400] =	vst v30  }
0xc2: {  	v57 =	vld [tilespmem:s16+$0x5400]  }
0xc3: {  	v47 =	vld [tilespmem:s14+$0x5580];
	v30 =	vbroadcast v34, $0xA;
	v31 =	vadd.f32 v31, v28;
	v41 =	vmul.f32 v51, v29  }
0xc4: {  	v28 =	vbroadcast v34, $0xB;
	v59 =	vld [tilespmem:s16+$0x5480]  }
0xc5: {  	v50 =	vld [tilespmem:s14+$0x5680];
	v31 =	vadd.f32 v41, v31;
	v58 =	vmul.f32 v43, v30  }
0xc6: {  	v46 =	vld [tilespmem:s16+$0x5500];
	v36 =	vmul.f32 v52, v28;
	v35 =	vmul.f32 v56, v22  }
0xc7: {  	v61 =	vld [tilespmem:s16+$0x5580];
	v41 =	vadd.f32 v58, v31;
	v31 =	vbroadcast v34, $0xC;
	v42 =	vmul.f32 v57, v22  }
0xc8: {  	v38 =	vld [tilespmem:s24+$0x7700];
	v60 =	vmul.f32 v44, v20;
	v63 =	vmul.f32 v45, v19;
	v35 =	vadd.f32 v35, v32  }
0xc9: {  	v48 =	vld [tilespmem:s14+$0x5600];
	v52 =	vmul.f32 v47, v21;
	v62 =	vmul.f32 v59, v20;
	v33 =	vadd.f32 v42, v33  }
0xca: {  	v49 =	vld [tilespmem:s16+$0x5600];
	v36 =	vadd.f32 v36, v41;
	v39 =	vmul.f32 v53, v31;
	v35 =	vadd.f32 v60, v35  }
0xcb: {  	v54 =	vld [tilespmem:s14+$0x5700];
	v32 =	vbroadcast v34, $0xD;
	v51 =	vmul.f32 v46, v19;
	v42 =	vadd.f32 v62, v33  }
0xcc: {  	v58 =	vmul.f32 v50, v24;
	v53 =	vld [tilespmem:s16+$0x5680];
	v44 =	vmul.f32 v61, v21;
	v35 =	vadd.f32 v63, v35  }
0xcd: {  	v40 =	vld [tilespmem:s24+$0x7780];
	v36 =	vadd.f32 v39, v36;
	v37 =	vmul.f32 v55, v32;
	v42 =	vadd.f32 v51, v42  }
0xce: {  	v56 =	vld [tilespmem:s16+$0x5700];
	v55 =	vmul.f32 v48, v23;
	v33 =	vbroadcast v34, $0xE;
	v35 =	vadd.f32 v52, v35  }
0xcf: {  	v57 =	vld [tilespmem:s14+$0x5780];
	v43 =	vmul.f32 v49, v23;
	v36 =	vadd.f32 v37, v36;
	v42 =	vadd.f32 v44, v42  }
0xd0: {  	v59 =	vld [tilespmem:s16+$0x5780];
	v34 =	vbroadcast v34, $0xF;
	v38 =	vmul.f32 v38, v33;
	v35 =	vadd.f32 v55, v35  }
0xd1: {  	v60 =	vld [tilespmem:s14+$0x7400];
	v62 =	vmul.f32 v54, v25;
	v61 =	vmul.f32 v53, v24;
	v42 =	vadd.f32 v43, v42  }
0xd2: {  	v39 =	vld [tilespmem:s16+$0x7400];
	v40 =	vmul.f32 v40, v34;
	v38 =	vadd.f32 v38, v36;
	v35 =	vadd.f32 v58, v35  }
0xd3: {  	v41 =	vmul.f32 v56, v25;
	v36 =	vld [tilespmem:s14+$0x7480];
	v42 =	vadd.f32 v61, v42  }
0xd4: {  	v45 =	vmul.f32 v57, v26;
	v63 =	vadd.f32 v40, v38;
	v38 =	vld [tilespmem:s16+$0x7480];
	v37 =	vadd.f32 v62, v35  }
0xd5: {  	s30 =	sadd.s32 $0x11400, s21;
	s20 =	sadd.s32 $0x11400, s7;
	v43 =	vmul.f32 v59, v26;
	v35 =	vld [tilespmem:s14+$0x7500];
	v40 =	vadd.f32 v41, v42  }
0xd6: {  	s12 =	sor.u32 $0x20, s13;
	s21 =	simm.s32 $0x0;
	s19 =	sadd.s32 $0x11400, s19;
	[tilespmem:s30+$0x80] =	vst v63;
	v41 =	vadd.f32 v45, v37;
	v42 =	vmul.f32 v60, v27;
	v37 =	vld [tilespmem:s16+$0x7500]  }
.LBB2_3:
0xd7: {  	s21 =	sadd.s32 $0x3, s21;
	v44 =	vld [tilespmem:s14+$0x7580];
	v40 =	vadd.f32 v43, v40;
	v39 =	vmul.f32 v39, v27  }
0xd8: {  	s7 =	sshll.u32 s21, $0x7;
	s22 =	sshll.u32 s21, $0x5;
	v41 =	vadd.f32 v42, v41;
	v36 =	vmul.f32 v36, v29;
	v42 =	vld [tilespmem:s16+$0x7580]  }
0xd9: {  	s18 =	sadd.s32 $0x30, s18;
	s23 =	sand.u32 $0x3FFFFC00, s7;
	s22 =	sand.u32 $0x3FFFFF00, s22;
	v43 =	vld [tilespmem:s14+$0x7600];
	v39 =	vadd.f32 v39, v40;
	v38 =	vmul.f32 v38, v29  }
0xda: {  	s30 =	sadd.s32 $0xFFFFFFF0, s18;
	s24 =	sshll.u32 s18, $0x3;
	s7 =	sadd.s32 $0xFFFFFFE0, s18;
	v36 =	vadd.f32 v36, v41;
	v35 =	vmul.f32 v35, v30;
	v40 =	vld [tilespmem:s16+$0x7600]  }
0xdb: {  	s25 =	sshll.u32 s30, $0x3;
	s29 =	sand.u32 $0x3FFFFC00, s24;
	s26 =	sand.u32 $0x70, s7;
	v41 =	vld [tilespmem:s14+$0x7680];
	v38 =	vadd.f32 v38, v39;
	v37 =	vmul.f32 v37, v30  }
0xdc: {  	s8 =	sand.u32 $0x70, s18;
	s7 =	sand.u32 $0x70, s30;
	s24 =	sand.u32 $0x3FFFFC00, s25;
	v35 =	vadd.f32 v35, v36;
	v36 =	vmul.f32 v44, v28;
	v44 =	vld [tilespmem:s16+$0x7680]  }
0xdd: {  	s25 =	sor.u32 s8, s29;
	s28 =	sor.u32 s26, s23;
	s24 =	sor.u32 s7, s24;
	v45 =	vld [tilespmem:s14+$0x7700];
	v37 =	vadd.f32 v37, v38;
	v38 =	vmul.f32 v42, v28  }
0xde: {  	s17 =	sadd.s32 $0x30, s17;
	s26 =	sor.u32 s26, s22;
	s23 =	sshll.u32 s18, $0x1;
	v42 =	vld [tilespmem:s24+$0x1400];
	v35 =	vadd.f32 v36, v35;
	v36 =	vmul.f32 v43, v31  }
0xdf: {  	p1 =	slt.u32 s21, $0x3C;
	s22 =	sadd.s32 $0x11400, s26;
	s23 =	sand.u32 $0x3FFFFF00, s23;
	v39 =	vld [tilespmem:s17+$0xFFFFFFF0];
	v37 =	vadd.f32 v38, v37;
	v38 =	vmul.f32 v40, v31  }
0xe0: {  	s29 =	sor.u32 s8, s23;
	v40 =	vld [tilespmem:s24+$0x1480];
	v35 =	vadd.f32 v36, v35;
	v36 =	vmul.f32 v41, v32  }
0xe1: {  	s23 =	sadd.s32 $0x11400, s29;
	v41 =	vld [tilespmem:s28+$0x1400];
	v37 =	vadd.f32 v38, v37;
	v38 =	vmul.f32 v44, v32  }
0xe2: {  	v43 =	vld [tilespmem:s24+$0x1500];
	v35 =	vadd.f32 v36, v35;
	v36 =	vmul.f32 v45, v33  }
0xe3: {  	v42 =	vmul.f32 v42, v17;
	v44 =	vld [tilespmem:s25+$0x1400];
	v38 =	vadd.f32 v38, v37  }
0xe4: {  	v45 =	vld [tilespmem:s24+$0x1580];
	v37 =	vadd.f32 v36, v35  }
0xe5: {  	v35 =	vld [tilespmem:s28+$0x1480];
	v36 =	vadd.f32 v42, v39;
	v40 =	vmul.f32 v40, v18  }
0xe6: {  	v41 =	vmul.f32 v41, v17;
	v42 =	vld [tilespmem:s24+$0x1600]  }
0xe7: {  	v40 =	vadd.f32 v40, v36;
	v43 =	vmul.f32 v43, v16;
	v46 =	vld [tilespmem:s25+$0x1480]  }
0xe8: {  	v47 =	vld [tilespmem:s24+$0x1680];
	v44 =	vmul.f32 v44, v17  }
0xe9: {  	v36 =	vld [tilespmem:s17+$0xFFFFFFE0];
	v40 =	vadd.f32 v43, v40;
	v43 =	vmul.f32 v45, v15  }
0xea: {  	v45 =	vmul.f32 v35, v18;
	v48 =	vld [tilespmem:s24+$0x1700]  }
0xeb: {  	v40 =	vadd.f32 v43, v40;
	v42 =	vmul.f32 v42, v14;
	v35 =	vld [tilespmem:s17+$0x0]  }
0xec: {  	v43 =	vld [tilespmem:s24+$0x1780];
	v46 =	vmul.f32 v46, v18  }
0xed: {  	v49 =	vld [tilespmem:s28+$0x1500];
	v40 =	vadd.f32 v42, v40;
	v42 =	vmul.f32 v47, v13  }
0xee: {  	v41 =	vadd.f32 v41, v36;
	v47 =	vld [tilespmem:s24+$0x3400]  }
0xef: {  	v40 =	vadd.f32 v42, v40;
	v42 =	vmul.f32 v48, v11;
	v48 =	vld [tilespmem:s25+$0x1500]  }
0xf0: {  	v41 =	vadd.f32 v45, v41;
	v45 =	vld [tilespmem:s24+$0x3480];
	v44 =	vadd.f32 v44, v35  }
0xf1: {  	v50 =	vld [tilespmem:s28+$0x1580];
	v40 =	vadd.f32 v42, v40;
	v42 =	vmul.f32 v43, v10  }
0xf2: {  	v43 =	vmul.f32 v49, v16;
	v49 =	vld [tilespmem:s24+$0x3500];
	v44 =	vadd.f32 v46, v44  }
0xf3: {  	v40 =	vadd.f32 v42, v40;
	v42 =	vmul.f32 v47, v9;
	v46 =	vld [tilespmem:s25+$0x1580]  }
0xf4: {  	v41 =	vadd.f32 v43, v41;
	v43 =	vld [tilespmem:s24+$0x3580];
	v47 =	vmul.f32 v48, v16  }
0xf5: {  	v48 =	vld [tilespmem:s28+$0x1600];
	v40 =	vadd.f32 v42, v40;
	v42 =	vmul.f32 v45, v8  }
0xf6: {  	v45 =	vmul.f32 v50, v15;
	v50 =	vld [tilespmem:s24+$0x3600];
	v44 =	vadd.f32 v47, v44  }
0xf7: {  	v40 =	vadd.f32 v42, v40;
	v42 =	vmul.f32 v49, v7;
	v47 =	vld [tilespmem:s25+$0x1600]  }
0xf8: {  	v41 =	vadd.f32 v45, v41;
	v45 =	vld [tilespmem:s24+$0x3680];
	v46 =	vmul.f32 v46, v15  }
0xf9: {  	v49 =	vld [tilespmem:s28+$0x1680];
	v40 =	vadd.f32 v42, v40;
	v42 =	vmul.f32 v43, v6  }
0xfa: {  	v43 =	vmul.f32 v48, v14;
	v48 =	vld [tilespmem:s24+$0x3700];
	v44 =	vadd.f32 v46, v44  }
0xfb: {  	v40 =	vadd.f32 v42, v40;
	v42 =	vmul.f32 v50, v5;
	v46 =	vld [tilespmem:s25+$0x1680]  }
0xfc: {  	v41 =	vadd.f32 v43, v41;
	v43 =	vld [tilespmem:s24+$0x3780];
	v47 =	vmul.f32 v47, v14  }
0xfd: {  	v50 =	vld [tilespmem:s28+$0x1700];
	v40 =	vadd.f32 v42, v40;
	v42 =	vmul.f32 v45, v4  }
0xfe: {  	v45 =	vmul.f32 v49, v13;
	v44 =	vadd.f32 v47, v44;
	v47 =	vld [tilespmem:s25+$0x1700]  }
0xff: {  	v49 =	vld [tilespmem:s28+$0x1780];
	v40 =	vadd.f32 v42, v40;
	v42 =	vmul.f32 v48, v3  }
0x100: {  	v41 =	vadd.f32 v45, v41;
	v45 =	vmul.f32 v46, v13;
	v46 =	vld [tilespmem:s25+$0x1780]  }
0x101: {  	v48 =	vld [tilespmem:s28+$0x3400];
	v40 =	vadd.f32 v42, v40;
	v42 =	vmul.f32 v43, v12  }
0x102: {  	s8 =	sshll.u32 s30, $0x1;
	v43 =	vmul.f32 v50, v11;
	v44 =	vadd.f32 v45, v44;
	v45 =	vld [tilespmem:s25+$0x3400]  }
0x103: {  	s8 =	sand.u32 $0x3FFFFF00, s8;
	v50 =	vld [tilespmem:s28+$0x3480];
	v40 =	vadd.f32 v42, v40;
	v42 =	vmul.f32 v47, v11  }
0x104: {  	s7 =	sor.u32 s7, s8;
	v41 =	vadd.f32 v43, v41;
	v43 =	vmul.f32 v49, v10;
	v47 =	vld [tilespmem:s25+$0x3480]  }
0x105: {  	v49 =	vld [tilespmem:s28+$0x3500];
	[tilespmem:s7+$0x11400] =	vst v40;
	v40 =	vadd.f32 v42, v44;
	v42 =	vmul.f32 v46, v10  }
0x106: {  	v41 =	vadd.f32 v43, v41;
	v43 =	vmul.f32 v48, v9;
	v44 =	vld [tilespmem:s24+$0x5400]  }
0x107: {  	v40 =	vadd.f32 v42, v40;
	v42 =	vmul.f32 v45, v9;
	v45 =	vld [tilespmem:s25+$0x3500]  }
0x108: {  	v41 =	vadd.f32 v43, v41;
	v43 =	vmul.f32 v50, v8;
	v46 =	vld [tilespmem:s24+$0x5480]  }
0x109: {  	v48 =	vld [tilespmem:s28+$0x3580];
	v40 =	vadd.f32 v42, v40;
	v42 =	vmul.f32 v47, v8  }
0x10a: {  	v41 =	vadd.f32 v43, v41;
	v43 =	vmul.f32 v49, v7;
	v47 =	vld [tilespmem:s24+$0x5500]  }
0x10b: {  	v44 =	vmul.f32 v44, v22;
	v40 =	vadd.f32 v42, v40;
	v42 =	vld [tilespmem:s25+$0x3580]  }
0x10c: {  	v41 =	vadd.f32 v43, v41;
	v43 =	vld [tilespmem:s24+$0x5580];
	v45 =	vmul.f32 v45, v7  }
0x10d: {  	v49 =	vld [tilespmem:s28+$0x3600];
	v39 =	vadd.f32 v44, v39;
	v44 =	vmul.f32 v46, v20  }
0x10e: {  	v46 =	vmul.f32 v48, v6;
	v48 =	vld [tilespmem:s24+$0x5600];
	v40 =	vadd.f32 v45, v40  }
0x10f: {  	v39 =	vadd.f32 v44, v39;
	v44 =	vmul.f32 v47, v19;
	v45 =	vld [tilespmem:s25+$0x3600]  }
0x110: {  	v41 =	vadd.f32 v46, v41;
	v46 =	vld [tilespmem:s24+$0x5680];
	v42 =	vmul.f32 v42, v6  }
0x111: {  	v47 =	vld [tilespmem:s28+$0x3680];
	v39 =	vadd.f32 v44, v39;
	v43 =	vmul.f32 v43, v21  }
0x112: {  	v44 =	vmul.f32 v49, v5;
	v49 =	vld [tilespmem:s24+$0x5700];
	v40 =	vadd.f32 v42, v40  }
0x113: {  	v39 =	vadd.f32 v43, v39;
	v42 =	vmul.f32 v48, v23;
	v43 =	vld [tilespmem:s25+$0x3680]  }
0x114: {  	v41 =	vadd.f32 v44, v41;
	v44 =	vld [tilespmem:s24+$0x5780];
	v45 =	vmul.f32 v45, v5  }
0x115: {  	v48 =	vld [tilespmem:s28+$0x3700];
	v39 =	vadd.f32 v42, v39;
	v42 =	vmul.f32 v46, v24  }
0x116: {  	v46 =	vmul.f32 v47, v4;
	v47 =	vld [tilespmem:s24+$0x7400];
	v40 =	vadd.f32 v45, v40  }
0x117: {  	v39 =	vadd.f32 v42, v39;
	v42 =	vmul.f32 v49, v25;
	v45 =	vld [tilespmem:s25+$0x3700]  }
0x118: {  	v41 =	vadd.f32 v46, v41;
	v46 =	vld [tilespmem:s24+$0x7480];
	v43 =	vmul.f32 v43, v4  }
0x119: {  	v49 =	vld [tilespmem:s28+$0x3780];
	v39 =	vadd.f32 v42, v39;
	v42 =	vmul.f32 v44, v26  }
0x11a: {  	v44 =	vmul.f32 v48, v3;
	v48 =	vld [tilespmem:s24+$0x7500];
	v40 =	vadd.f32 v43, v40  }
0x11b: {  	v39 =	vadd.f32 v42, v39;
	v42 =	vmul.f32 v47, v27;
	v43 =	vld [tilespmem:s25+$0x3780]  }
0x11c: {  	v41 =	vadd.f32 v44, v41;
	v44 =	vld [tilespmem:s24+$0x7580];
	v45 =	vmul.f32 v45, v3  }
0x11d: {  	v39 =	vadd.f32 v42, v39;
	v42 =	vmul.f32 v46, v29;
	v46 =	vld [tilespmem:s16+$0x7700]  }
0x11e: {  	v47 =	vmul.f32 v49, v12;
	v49 =	vld [tilespmem:s24+$0x7600];
	v40 =	vadd.f32 v45, v40  }
0x11f: {  	v39 =	vadd.f32 v42, v39;
	v42 =	vmul.f32 v48, v30;
	v45 =	vld [tilespmem:s14+$0x7780];
	s14 =	smov.u32 s28  }
0x120: {  	v41 =	vadd.f32 v47, v41;
	v47 =	vld [tilespmem:s24+$0x7680];
	v43 =	vmul.f32 v43, v12  }
0x121: {  	v39 =	vadd.f32 v42, v39;
	v42 =	vmul.f32 v44, v28;
	v44 =	vld [tilespmem:s16+$0x7780];
	s16 =	smov.u32 s25  }
0x122: {  	[tilespmem:s26+$0x11400] =	vst v41;
	v41 =	vld [tilespmem:s24+$0x7700];
	v40 =	vadd.f32 v43, v40;
	v43 =	vmul.f32 v46, v33  }
0x123: {  	v46 =	vld [tilespmem:s14+$0x5400];
	v39 =	vadd.f32 v42, v39;
	v42 =	vmul.f32 v49, v31  }
0x124: {  	v48 =	vld [tilespmem:s24+$0x7780];
	[tilespmem:s29+$0x11400] =	vst v40;
	v40 =	vmul.f32 v45, v34;
	v38 =	vadd.f32 v43, v38  }
0x125: {  	v39 =	vadd.f32 v42, v39;
	v42 =	vmul.f32 v47, v32;
	v43 =	vld [tilespmem:s16+$0x5400]  }
0x126: {  	v45 =	vld [tilespmem:s14+$0x5480];
	v37 =	vadd.f32 v40, v37;
	v40 =	vmul.f32 v44, v34  }
0x127: {  	v39 =	vadd.f32 v42, v39;
	v41 =	vmul.f32 v41, v33;
	v42 =	vld [tilespmem:s16+$0x5480]  }
0x128: {  	v44 =	vmul.f32 v46, v22;
	v46 =	vld [tilespmem:s14+$0x5500];
	[tilespmem:s20+$0x80] =	vst v37;
	v37 =	vadd.f32 v40, v38;
	s20 =	smov.u32 s22  }
0x129: {  	v38 =	vadd.f32 v41, v39;
	v39 =	vmul.f32 v48, v34;
	v40 =	vld [tilespmem:s16+$0x5500]  }
0x12a: {  	v36 =	vadd.f32 v44, v36;
	v41 =	vld [tilespmem:s14+$0x5580];
	v43 =	vmul.f32 v43, v22;
	[tilespmem:s19+$0x80] =	vst v37;
	s19 =	smov.u32 s23  }
0x12b: {  	v37 =	vmul.f32 v45, v20;
	v38 =	vadd.f32 v39, v38;
	v39 =	vld [tilespmem:s16+$0x5580]  }
0x12c: {  	s7 =	sadd.s32 $0x11400, s7;
	v44 =	vld [tilespmem:s14+$0x5600];
	v35 =	vadd.f32 v43, v35;
	v42 =	vmul.f32 v42, v20  }
0x12d: {  	v36 =	vadd.f32 v37, v36;
	v37 =	vmul.f32 v46, v19;
	[tilespmem:s7+$0x80] =	vst v38;
	v38 =	vld [tilespmem:s16+$0x5600]  }
0x12e: {  	v43 =	vld [tilespmem:s14+$0x5680];
	v35 =	vadd.f32 v42, v35;
	v40 =	vmul.f32 v40, v19  }
0x12f: {  	v36 =	vadd.f32 v37, v36;
	v37 =	vmul.f32 v41, v21;
	v41 =	vld [tilespmem:s16+$0x5680]  }
0x130: {  	v42 =	vld [tilespmem:s14+$0x5700];
	v35 =	vadd.f32 v40, v35;
	v39 =	vmul.f32 v39, v21  }
0x131: {  	v36 =	vadd.f32 v37, v36;
	v37 =	vmul.f32 v44, v23;
	v40 =	vld [tilespmem:s16+$0x5700]  }
0x132: {  	v44 =	vld [tilespmem:s14+$0x5780];
	v35 =	vadd.f32 v39, v35;
	v38 =	vmul.f32 v38, v23  }
0x133: {  	v36 =	vadd.f32 v37, v36;
	v37 =	vmul.f32 v43, v24;
	v43 =	vld [tilespmem:s16+$0x5780]  }
0x134: {  	v45 =	vld [tilespmem:s14+$0x7400];
	v35 =	vadd.f32 v38, v35;
	v38 =	vmul.f32 v41, v24  }
.Ltmp0:
0x135: {  	v37 =	vadd.f32 v37, v36;
	v41 =	vmul.f32 v42, v25;
	v39 =	vld [tilespmem:s16+$0x7400];
	(pc) =	sbr.rel @p1 .LBB2_3-.Ltmp0, $4  }
0x136: {  	v36 =	vld [tilespmem:s14+$0x7480];
	v42 =	vadd.f32 v38, v35;
	v40 =	vmul.f32 v40, v25  }
0x137: {  	v37 =	vadd.f32 v41, v37;
	v41 =	vmul.f32 v44, v26;
	v38 =	vld [tilespmem:s16+$0x7480]  }
0x138: {  	v35 =	vld [tilespmem:s14+$0x7500];
	v40 =	vadd.f32 v40, v42;
	v43 =	vmul.f32 v43, v26  }
0x139: {  	v41 =	vadd.f32 v41, v37;
	v42 =	vmul.f32 v45, v27;
	v37 =	vld [tilespmem:s16+$0x7500]  }
0x13a: {  	v44 =	vld [tilespmem:s14+$0x7580];
	v40 =	vadd.f32 v43, v40;
	v39 =	vmul.f32 v39, v27  }
0x13b: {  	v48 =	vld [tilespmem:s16+$0x7580];
	v41 =	vadd.f32 v42, v41;
	v36 =	vmul.f32 v36, v29  }
0x13c: {  	v49 =	vld [tilespmem:s14+$0x7600];
	v39 =	vadd.f32 v39, v40;
	v38 =	vmul.f32 v38, v29  }
0x13d: {  	v50 =	vld [tilespmem:s16+$0x7600];
	v36 =	vadd.f32 v36, v41;
	v35 =	vmul.f32 v35, v30  }
0x13e: {  	v51 =	vld [tilespmem:s14+$0x7680];
	v38 =	vadd.f32 v38, v39;
	v37 =	vmul.f32 v37, v30  }
0x13f: {  	v53 =	vld [tilespmem:s16+$0x7680];
	v35 =	vadd.f32 v35, v36;
	v52 =	vmul.f32 v44, v28  }
0x140: {  	v54 =	vld [tilespmem:s14+$0x7700];
	v55 =	vmul.f32 v48, v28;
	v37 =	vadd.f32 v37, v38  }
0x141: {  	v57 =	vld [tilespmem:s16+$0x7700];
	v56 =	vmul.f32 v49, v31;
	v35 =	vadd.f32 v52, v35  }
0x142: {  	v59 =	vld [tilespmem:s14+$0x7780];
	v58 =	vmul.f32 v50, v31;
	v37 =	vadd.f32 v55, v37  }
0x143: {  	v61 =	vld [tilespmem:s16+$0x7780];
	v60 =	vmul.f32 v51, v32;
	v35 =	vadd.f32 v56, v35  }
0x144: {  	v62 =	vmul.f32 v53, v32;
	v37 =	vadd.f32 v58, v37  }
0x145: {  	v63 =	vmul.f32 v54, v33;
	v35 =	vadd.f32 v60, v35  }
0x146: {  	v42 =	vmul.f32 v57, v33;
	v37 =	vadd.f32 v62, v37  }
0x147: {  	v43 =	vmul.f32 v59, v34;
	v35 =	vadd.f32 v63, v35  }
0x148: {  	v44 =	vmul.f32 v61, v34;
	v37 =	vadd.f32 v42, v37  }
0x149: {  	v35 =	vadd.f32 v43, v35  }
0x14a: {  	v45 =	vadd.f32 v44, v37  }
0x14b: {  	[tilespmem:s20+$0x80] =	vst v35  }
0x14c: {  	[tilespmem:s19+$0x80] =	vst v45  }
0x14d: {  	v35 =	vld [tilespmem:$0x13F0]  }
0x14e: {  	v36 =	vld [tilespmem:$0x3070]  }
0x14f: {  	v46 =	vld [tilespmem:$0x7070]  }
0x150: {  	v47 =	vld [tilespmem:$0x30F0]  }
0x151: {  	v48 =	vld [tilespmem:$0x70F0]  }
0x152: {  	v49 =	vld [tilespmem:$0x3170]  }
0x153: {  	v50 =	vld [tilespmem:$0x7170];
	v17 =	vmul.f32 v36, v17  }
0x154: {  	v51 =	vld [tilespmem:$0x31F0];
	v22 =	vmul.f32 v46, v22  }
0x155: {  	v52 =	vld [tilespmem:$0x71F0];
	v18 =	vmul.f32 v47, v18;
	v17 =	vadd.f32 v17, v35  }
0x156: {  	v53 =	vld [tilespmem:$0x3270];
	v20 =	vmul.f32 v48, v20;
	v22 =	vadd.f32 v22, v35  }
0x157: {  	v16 =	vmul.f32 v49, v16;
	v17 =	vadd.f32 v18, v17;
	v18 =	vld [tilespmem:$0x7270]  }
0x158: {  	v54 =	vld [tilespmem:$0x32F0];
	v19 =	vmul.f32 v50, v19;
	v20 =	vadd.f32 v20, v22  }
0x159: {  	v15 =	vmul.f32 v51, v15;
	v16 =	vadd.f32 v16, v17;
	v17 =	vld [tilespmem:$0x72F0]  }
0x15a: {  	v22 =	vld [tilespmem:$0x3370];
	v19 =	vadd.f32 v19, v20;
	v20 =	vmul.f32 v52, v21  }
0x15b: {  	v14 =	vmul.f32 v53, v14;
	v15 =	vadd.f32 v15, v16;
	v16 =	vld [tilespmem:$0x7370]  }
0x15c: {  	v21 =	vld [tilespmem:$0x33F0];
	v19 =	vadd.f32 v20, v19;
	v18 =	vmul.f32 v18, v23  }
0x15d: {  	v13 =	vmul.f32 v54, v13;
	v14 =	vadd.f32 v14, v15;
	v15 =	vld [tilespmem:$0x73F0]  }
0x15e: {  	v20 =	vld [tilespmem:$0x5070];
	v18 =	vadd.f32 v18, v19;
	v17 =	vmul.f32 v17, v24  }
0x15f: {  	v11 =	vmul.f32 v22, v11;
	v13 =	vadd.f32 v13, v14;
	v14 =	vld [tilespmem:$0x9070]  }
0x160: {  	v19 =	vld [tilespmem:$0x50F0];
	v17 =	vadd.f32 v17, v18;
	v16 =	vmul.f32 v16, v25  }
0x161: {  	v10 =	vmul.f32 v21, v10;
	v11 =	vadd.f32 v11, v13;
	v13 =	vld [tilespmem:$0x90F0]  }
0x162: {  	v18 =	vld [tilespmem:$0x5170];
	v16 =	vadd.f32 v16, v17;
	v15 =	vmul.f32 v15, v26  }
0x163: {  	v9 =	vmul.f32 v20, v9;
	v10 =	vadd.f32 v10, v11;
	v11 =	vld [tilespmem:$0x9170]  }
0x164: {  	v17 =	vld [tilespmem:$0x51F0];
	v15 =	vadd.f32 v15, v16;
	v14 =	vmul.f32 v14, v27  }
0x165: {  	v8 =	vmul.f32 v19, v8;
	v9 =	vadd.f32 v9, v10;
	v10 =	vld [tilespmem:$0x91F0]  }
0x166: {  	v16 =	vld [tilespmem:$0x5270];
	v14 =	vadd.f32 v14, v15;
	v13 =	vmul.f32 v13, v29  }
0x167: {  	v7 =	vmul.f32 v18, v7;
	v8 =	vadd.f32 v8, v9;
	v9 =	vld [tilespmem:$0x9270]  }
0x168: {  	v15 =	vld [tilespmem:$0x52F0];
	v13 =	vadd.f32 v13, v14;
	v11 =	vmul.f32 v11, v30  }
0x169: {  	v6 =	vmul.f32 v17, v6;
	v7 =	vadd.f32 v7, v8;
	v8 =	vld [tilespmem:$0x92F0]  }
0x16a: {  	v14 =	vld [tilespmem:$0x5370];
	v11 =	vadd.f32 v11, v13;
	v10 =	vmul.f32 v10, v28  }
0x16b: {  	v5 =	vmul.f32 v16, v5;
	v6 =	vadd.f32 v6, v7;
	v7 =	vld [tilespmem:$0x9370]  }
0x16c: {  	v13 =	vld [tilespmem:$0x53F0];
	v10 =	vadd.f32 v10, v11;
	v9 =	vmul.f32 v9, v31  }
0x16d: {  	v4 =	vmul.f32 v15, v4;
	v5 =	vadd.f32 v5, v6;
	v6 =	vld [tilespmem:$0x93F0]  }
0x16e: {  	v9 =	vadd.f32 v9, v10;
	v8 =	vmul.f32 v8, v32  }
0x16f: {  	v3 =	vmul.f32 v14, v3;
	v4 =	vadd.f32 v4, v5  }
0x170: {  	v5 =	vadd.f32 v8, v9;
	v7 =	vmul.f32 v7, v33  }
0x171: {  	v3 =	vadd.f32 v3, v4;
	v4 =	vmul.f32 v13, v12  }
0x172: {  	v5 =	vadd.f32 v7, v5;
	v6 =	vmul.f32 v6, v34  }
0x173: {  	s7 =	sshll.u32 s3, $0x9;
	v3 =	vadd.f32 v4, v3  }
0x174: {  	s8 =	sand.u32 $0x40, s13;
	s7 =	sand.u32 $0x3C00, s7;
	v4 =	vadd.f32 v6, v5  }
0x175: {  	s16 =	sadd.s32 s4, s8;
	s13 =	sor.u32 s6, s7;
	[tilespmem:$0x11B70] =	vst v3  }
0x176: {  	s17 =	simm.s32 $0x11400;
	p1 =	seq.s32 s3, $0x1F;
	s7 =	sadd.s32 s13, s16;
	[tilespmem:$0x11BF0] =	vst v4  }
0x177: {  	[hbm4b:s7+s31] =	stream.strided.scatter [tilespmem:s17], [sflag:$0x3], $0x800, s0, s31, $0x38;
	[tilespmem:$0x12400] =	vst v63  }
0x178: {  	s7 =	sshll.u32 @!p1 s3, $0x6  }
0x179: {  	s7 =	sand.u32 @!p1 $0x3FFFFFC0, s7  }
0x17a: {  	v3 =	vld @!p1 [tilespmem:s7+$0x840];
	_ =	sdelay $0x4  }
0x17b: {  	v4 =	vshll.u32 @!p1 v3, $0x3  }
0x17c: {  	v5 =	vlaneseq.u32 @!p1;
	v3 =	vand.u32 @!p1 $0x7, v3;
	v4 =	vand.u32 @!p1 $0xFFFFFFC0, v4  }
0x17d: {  	v6 =	vshrl.u32 @!p1 v5, $0x3;
	v3 =	vor.u32 @!p1 v3, v4;
	v4 =	vand.u32 @!p1 $0x7, v5  }
0x17e: {  	v6 =	vmul.u32 @!p1 $0x8, v6;
	v7 =	vperm.xlane @!p1 v3, v4;
	_ =	sdelay $0x1  }
0x17f: {  	v7 =	vadd.s32 @!p1 v6, v7;
	_ =	sdelay $0x3  }
0x180: {  	vm1 =	vmmov @!p1 $0xffff;
	s8 =	simm.s32 @!p1 $0x0;
	s14 =	simm.s32 @!p1 $0x1400  }
0x181: {  	v5 =	vor.u32 @!p1 $0x8, v5;
	[tilespmem:s14], [sflag:$0x1] =	stream.indirect_vreg.gather @!p1 [hbm4b:s1+s8], $0x80, v7, vm1, $0xb8;
	[tilespmem:$0x12400] =	vst v63  }
0x182: {  	v3 =	vperm.xlane @!p1 v3, v5;
	s14 =	simm.s32 @!p1 $0x1C00  }
0x183: {  	[tilespmem:s14], [sflag:$0x1] =	stream.indirect_vreg.gather @!p1 [hbm4b:s9+s8], $0x80, v7, vm1, $0xb8;
	[tilespmem:$0x12400] =	vst v63  }
0x184: {  	v3 =	vadd.s32 @!p1 v6, v3;
	s14 =	simm.s32 @!p1 $0x2400  }
0x185: {  	[tilespmem:s14], [sflag:$0x1] =	stream.indirect_vreg.gather @!p1 [hbm4b:s10+s8], $0x80, v7, vm1, $0xb8;
	[tilespmem:$0x12400] =	vst v63  }
0x186: {  	s14 =	simm.s32 @!p1 $0x2C00  }
0x187: {  	[tilespmem:s14], [sflag:$0x1] =	stream.indirect_vreg.gather @!p1 [hbm4b:s11+s8], $0x80, v7, vm1, $0xb8;
	[tilespmem:$0x12400] =	vst v63  }
0x188: {  	s14 =	simm.s32 @!p1 $0x3400  }
0x189: {  	[tilespmem:s14], [sflag:$0x1] =	stream.indirect_vreg.gather @!p1 [hbm4b:s1+s8], $0x80, v3, vm1, $0xb8;
	[tilespmem:$0x12400] =	vst v63  }
0x18a: {  	s14 =	simm.s32 @!p1 $0x3C00  }
0x18b: {  	[tilespmem:s14], [sflag:$0x1] =	stream.indirect_vreg.gather @!p1 [hbm4b:s9+s8], $0x80, v3, vm1, $0xb8;
	[tilespmem:$0x12400] =	vst v63  }
0x18c: {  	s14 =	simm.s32 @!p1 $0x4400  }
0x18d: {  	[tilespmem:s14], [sflag:$0x1] =	stream.indirect_vreg.gather @!p1 [hbm4b:s10+s8], $0x80, v3, vm1, $0xb8;
	[tilespmem:$0x12400] =	vst v63  }
0x18e: {  	s14 =	simm.s32 @!p1 $0x4C00  }
0x18f: {  	[tilespmem:s14], [sflag:$0x1] =	stream.indirect_vreg.gather @!p1 [hbm4b:s11+s8], $0x80, v3, vm1, $0xb8;
	[tilespmem:$0x12400] =	vst v63  }
0x190: {  	v3 =	vld @!p1 [tilespmem:s7+$0x850];
	_ =	sdelay $0x4  }
0x191: {  	v7 =	vshll.u32 @!p1 v3, $0x3  }
0x192: {  	v3 =	vand.u32 @!p1 $0x7, v3;
	v7 =	vand.u32 @!p1 $0xFFFFFFC0, v7  }
0x193: {  	v3 =	vor.u32 @!p1 v3, v7  }
0x194: {  	v4 =	vperm.xlane @!p1 v3, v4;
	_ =	sdelay $0x1  }
0x195: {  	v4 =	vadd.s32 @!p1 v6, v4;
	_ =	sdelay $0x3  }
0x196: {  	s7 =	simm.s32 @!p1 $0x5400  }
0x197: {  	[tilespmem:s7], [sflag:$0x1] =	stream.indirect_vreg.gather @!p1 [hbm4b:s1+s8], $0x80, v4, vm1, $0xb8;
	[tilespmem:$0x12400] =	vst v63  }
0x198: {  	v3 =	vperm.xlane @!p1 v3, v5;
	s7 =	simm.s32 @!p1 $0x5C00  }
0x199: {  	[tilespmem:s7], [sflag:$0x1] =	stream.indirect_vreg.gather @!p1 [hbm4b:s9+s8], $0x80, v4, vm1, $0xb8;
	[tilespmem:$0x12400] =	vst v63  }
0x19a: {  	v3 =	vadd.s32 @!p1 v6, v3;
	s7 =	simm.s32 @!p1 $0x6400  }
0x19b: {  	[tilespmem:s7], [sflag:$0x1] =	stream.indirect_vreg.gather @!p1 [hbm4b:s10+s8], $0x80, v4, vm1, $0xb8;
	[tilespmem:$0x12400] =	vst v63  }
0x19c: {  	s7 =	simm.s32 @!p1 $0x6C00  }
0x19d: {  	[tilespmem:s7], [sflag:$0x1] =	stream.indirect_vreg.gather @!p1 [hbm4b:s11+s8], $0x80, v4, vm1, $0xb8;
	[tilespmem:$0x12400] =	vst v63  }
0x19e: {  	s7 =	simm.s32 @!p1 $0x7400  }
0x19f: {  	[tilespmem:s7], [sflag:$0x1] =	stream.indirect_vreg.gather @!p1 [hbm4b:s1+s8], $0x80, v3, vm1, $0xb8;
	[tilespmem:$0x12400] =	vst v63  }
0x1a0: {  	s7 =	simm.s32 @!p1 $0x7C00  }
0x1a1: {  	[tilespmem:s7], [sflag:$0x1] =	stream.indirect_vreg.gather @!p1 [hbm4b:s9+s8], $0x80, v3, vm1, $0xb8;
	[tilespmem:$0x12400] =	vst v63  }
0x1a2: {  	s7 =	simm.s32 @!p1 $0x8400  }
0x1a3: {  	[tilespmem:s7], [sflag:$0x1] =	stream.indirect_vreg.gather @!p1 [hbm4b:s10+s8], $0x80, v3, vm1, $0xb8;
	[tilespmem:$0x12400] =	vst v63  }
0x1a4: {  	s7 =	simm.s32 @!p1 $0x8C00  }
0x1a5: {  	[tilespmem:s7], [sflag:$0x1] =	stream.indirect_vreg.gather @!p1 [hbm4b:s11+s8], $0x80, v3, vm1, $0xb8;
	[tilespmem:$0x12400] =	vst v63  }
0x1a6: {  	v12 =	vld [tilespmem:s12+$0x0]  }
0x1a7: {  	v34 =	vld [tilespmem:s12+$0x10];
	_ =	swait.ge [sflag:s2], $0x8000  }
0x1a8: {  	[sflag:s2] =	ssyncset.done $0x0  }
0x1a9: {  	s8 =	simm.s32 @!p0 $0x4;
	[sflag:s2] =	ssyncadd.s32 $0xFFFF8000  }
0x1aa: {  	s18 =	simm.s32 $0x10;
	s19 =	simm.s32 $0x80;
	_ =	swait.ge @!p0 [sflag:s8], $0x800  }
0x1ab: {  	s14 =	sand.u32 $0x3FFFFC00, s19;
	s7 =	sand.u32 $0x70, s18;
	[sflag:s8] =	ssyncset.done @!p0 $0x0  }
0x1ac: {  	s21 =	sor.u32 s7, s14;
	[sflag:s8] =	ssyncadd.s32 @!p0 $0xFFFFF800  }
0x1ad: {  	s17 =	simm.s32 $0x1020;
	v3 =	vld [tilespmem:s21+$0x9400]  }
0x1ae: {  	s24 =	simm.s32 $0x100;
	s18 =	simm.s32 $0x20;
	v23 =	vld [tilespmem:s17+$0xFFFFFFF0]  }
0x1af: {  	s25 =	sand.u32 $0x3FFFFC00, s24;
	s26 =	sand.u32 $0x70, s18;
	v4 =	vld [tilespmem:s21+$0x9480]  }
0x1b0: {  	s16 =	sor.u32 s26, s25;
	v5 =	vld [tilespmem:s21+$0x9500]  }
0x1b1: {  	v20 =	vld [tilespmem:s16+$0x9400]  }
0x1b2: {  	v6 =	vld [tilespmem:s21+$0x9580]  }
0x1b3: {  	v17 =	vbroadcast v12, $0x0;
	v7 =	vld [tilespmem:s21+$0x9600]  }
0x1b4: {  	v22 =	vld [tilespmem:s16+$0x9480]  }
0x1b5: {  	v18 =	vbroadcast v12, $0x1;
	v32 =	vld [tilespmem:s17+$0xFFFFFFE0];
	v3 =	vmul.f32 v3, v17  }
0x1b6: {  	v33 =	vld [tilespmem:s17+$0x0]  }
0x1b7: {  	v16 =	vbroadcast v12, $0x2;
	v25 =	vld [tilespmem:s16+$0x9500];
	v4 =	vmul.f32 v4, v18;
	v3 =	vadd.f32 v3, v23  }
0x1b8: {  	v27 =	vld [tilespmem:s21+$0xB500]  }
0x1b9: {  	v15 =	vbroadcast v12, $0x3;
	v28 =	vld [tilespmem:s16+$0x9580];
	v3 =	vadd.f32 v4, v3;
	v4 =	vmul.f32 v5, v16  }
0x1ba: {  	v5 =	vld [tilespmem:s21+$0x9680]  }
0x1bb: {  	v14 =	vbroadcast v12, $0x4;
	v29 =	vld [tilespmem:s21+$0xB580];
	v3 =	vadd.f32 v4, v3;
	v4 =	vmul.f32 v6, v15  }
0x1bc: {  	v6 =	vld [tilespmem:s21+$0x9700]  }
0x1bd: {  	v13 =	vbroadcast v12, $0x5;
	v31 =	vld [tilespmem:s21+$0xB600];
	v3 =	vadd.f32 v4, v3;
	v4 =	vmul.f32 v7, v14  }
0x1be: {  	v7 =	vld [tilespmem:s21+$0x9780]  }
0x1bf: {  	v11 =	vbroadcast v12, $0x6;
	v55 =	vld [tilespmem:s21+$0xB680];
	v3 =	vadd.f32 v4, v3;
	v4 =	vmul.f32 v5, v13  }
0x1c0: {  	s22 =	simm.s32 $0x0;
	s20 =	simm.s32 $0x0;
	v5 =	vld [tilespmem:s21+$0xB400]  }
0x1c1: {  	s23 =	sand.u32 $0x70, s22;
	s8 =	sand.u32 $0x3FFFFC00, s20;
	v10 =	vbroadcast v12, $0x7;
	v58 =	vld [tilespmem:s21+$0xB700];
	v3 =	vadd.f32 v4, v3;
	v4 =	vmul.f32 v6, v11  }
0x1c2: {  	s14 =	sor.u32 s23, s8;
	v6 =	vld [tilespmem:s21+$0xB480]  }
0x1c3: {  	v9 =	vbroadcast v12, $0x8;
	v19 =	vld [tilespmem:s14+$0x9400];
	v3 =	vadd.f32 v4, v3;
	v4 =	vmul.f32 v7, v10  }
0x1c4: {  	v59 =	vld [tilespmem:s16+$0x9680]  }
0x1c5: {  	v8 =	vbroadcast v12, $0x9;
	v21 =	vld [tilespmem:s14+$0x9480];
	v3 =	vadd.f32 v4, v3;
	v4 =	vmul.f32 v5, v9  }
0x1c6: {  	v60 =	vld [tilespmem:s21+$0xB780]  }
0x1c7: {  	v24 =	vld [tilespmem:s14+$0x9500];
	v7 =	vbroadcast v12, $0xA;
	v3 =	vadd.f32 v4, v3;
	v4 =	vmul.f32 v6, v8  }
0x1c8: {  	v62 =	vld [tilespmem:s16+$0x9700];
	v20 =	vmul.f32 v20, v17;
	v19 =	vmul.f32 v19, v17  }
0x1c9: {  	v48 =	vld [tilespmem:s16+$0xB580];
	v6 =	vbroadcast v12, $0xB;
	v3 =	vadd.f32 v4, v3;
	v4 =	vmul.f32 v27, v7  }
0x1ca: {  	v54 =	vld [tilespmem:s16+$0xB680];
	v22 =	vmul.f32 v22, v18;
	v21 =	vmul.f32 v21, v18;
	v19 =	vadd.f32 v19, v32  }
0x1cb: {  	v26 =	vld [tilespmem:s14+$0x9580];
	v5 =	vbroadcast v12, $0xC;
	v29 =	vmul.f32 v29, v6;
	v57 =	vadd.f32 v4, v3  }
0x1cc: {  	v30 =	vld [tilespmem:s14+$0x9600];
	v20 =	vadd.f32 v20, v33;
	v19 =	vadd.f32 v21, v19;
	v21 =	vmul.f32 v24, v16  }
0x1cd: {  	v56 =	vld [tilespmem:s14+$0x9680];
	v31 =	vmul.f32 v31, v5;
	v4 =	vbroadcast v12, $0xD;
	v29 =	vadd.f32 v29, v57  }
0x1ce: {  	v20 =	vadd.f32 v22, v20;
	v24 =	vmul.f32 v25, v16;
	v19 =	vadd.f32 v21, v19;
	v27 =	vld [tilespmem:s16+$0x9600]  }
0x1cf: {  	v61 =	vld [tilespmem:s14+$0x9700];
	v3 =	vbroadcast v12, $0xE;
	v29 =	vadd.f32 v31, v29;
	v31 =	vmul.f32 v55, v4  }
0x1d0: {  	v63 =	vld [tilespmem:s14+$0x9780];
	v21 =	vmul.f32 v26, v15;
	v20 =	vadd.f32 v24, v20;
	v24 =	vmul.f32 v28, v15  }
0x1d1: {  	v45 =	vld [tilespmem:s14+$0xB580];
	v12 =	vbroadcast v12, $0xF;
	v29 =	vadd.f32 v31, v29;
	v31 =	vmul.f32 v58, v3  }
0x1d2: {  	v50 =	vld [tilespmem:s14+$0xB600];
	v19 =	vadd.f32 v21, v19;
	v21 =	vmul.f32 v30, v14;
	v20 =	vadd.f32 v24, v20  }
0x1d3: {  	v22 =	vld [tilespmem:s16+$0x9780];
	v24 =	vmul.f32 v27, v14;
	v29 =	vadd.f32 v31, v29;
	v31 =	vmul.f32 v60, v12  }
0x1d4: {  	s28 =	simm.s32 $0x20;
	v25 =	vld [tilespmem:s14+$0xB400];
	v19 =	vadd.f32 v21, v19;
	v21 =	vmul.f32 v56, v13  }
0x1d5: {  	s8 =	sand.u32 $0x3FFFFF00, s28;
	v26 =	vld [tilespmem:s16+$0xB400];
	v20 =	vadd.f32 v24, v20;
	v24 =	vmul.f32 v59, v13;
	v29 =	vadd.f32 v31, v29  }
0x1d6: {  	s22 =	sor.u32 s7, s8;
	v28 =	vld [tilespmem:s14+$0xB480];
	v19 =	vadd.f32 v21, v19;
	v21 =	vmul.f32 v61, v11  }
0x1d7: {  	v30 =	vld [tilespmem:s16+$0xB480];
	v20 =	vadd.f32 v24, v20;
	v24 =	vmul.f32 v62, v11;
	[tilespmem:s22+$0x11C00] =	vst v29  }
0x1d8: {  	v19 =	vadd.f32 v21, v19;
	v21 =	vmul.f32 v63, v10;
	v29 =	vld [tilespmem:s21+$0xD400]  }
0x1d9: {  	v47 =	vmul.f32 v22, v10;
	v27 =	vld [tilespmem:s14+$0xB500];
	v24 =	vadd.f32 v24, v20  }
0x1da: {  	v25 =	vmul.f32 v25, v9;
	v21 =	vadd.f32 v21, v19;
	v44 =	vld [tilespmem:s21+$0xD480]  }
0x1db: {  	v22 =	vbroadcast v34, $0x0;
	v26 =	vmul.f32 v26, v9;
	v31 =	vld [tilespmem:s16+$0xB500];
	v24 =	vadd.f32 v47, v24  }
0x1dc: {  	v28 =	vmul.f32 v28, v8;
	v25 =	vadd.f32 v25, v21;
	v20 =	vbroadcast v34, $0x1;
	v46 =	vld [tilespmem:s21+$0xD500]  }
0x1dd: {  	v52 =	vld [tilespmem:s14+$0xB680];
	v24 =	vadd.f32 v26, v24;
	v26 =	vmul.f32 v30, v8;
	v29 =	vmul.f32 v29, v22  }
0x1de: {  	v19 =	vbroadcast v34, $0x2;
	v25 =	vadd.f32 v28, v25;
	v27 =	vmul.f32 v27, v7;
	v49 =	vld [tilespmem:s21+$0xD580]  }
0x1df: {  	v30 =	vld [tilespmem:s16+$0xB600];
	v24 =	vadd.f32 v26, v24;
	v26 =	vadd.f32 v29, v23;
	v29 =	vmul.f32 v44, v20  }
0x1e0: {  	v56 =	vld [tilespmem:s16+$0xB700];
	v25 =	vadd.f32 v27, v25;
	v27 =	vmul.f32 v31, v7;
	v31 =	vmul.f32 v45, v6  }
0x1e1: {  	v21 =	vbroadcast v34, $0x3;
	v55 =	vld [tilespmem:s14+$0xB700];
	v26 =	vadd.f32 v29, v26;
	v29 =	vmul.f32 v46, v19  }
0x1e2: {  	v58 =	vld [tilespmem:s16+$0xB780];
	v27 =	vadd.f32 v27, v24;
	v25 =	vadd.f32 v31, v25;
	v31 =	vmul.f32 v48, v6  }
0x1e3: {  	v38 =	vmul.f32 v50, v5;
	v51 =	vld [tilespmem:s21+$0xD600];
	v26 =	vadd.f32 v29, v26;
	v29 =	vmul.f32 v49, v21  }
0x1e4: {  	v30 =	vmul.f32 v30, v5;
	v27 =	vadd.f32 v31, v27;
	v31 =	vld [tilespmem:s14+$0xB780]  }
0x1e5: {  	v36 =	vmul.f32 v52, v4;
	v28 =	vld [tilespmem:s21+$0xD680];
	v26 =	vadd.f32 v29, v26;
	v29 =	vadd.f32 v38, v25  }
0x1e6: {  	v53 =	vld [tilespmem:s21+$0xD700];
	v23 =	vbroadcast v34, $0x4;
	v27 =	vadd.f32 v30, v27;
	v30 =	vmul.f32 v54, v4  }
0x1e7: {  	v60 =	vmul.f32 v55, v3;
	v57 =	vld [tilespmem:s21+$0xD780];
	v29 =	vadd.f32 v36, v29  }
0x1e8: {  	v59 =	vld [tilespmem:s21+$0xF400];
	v24 =	vbroadcast v34, $0x5;
	v41 =	vmul.f32 v51, v23;
	v27 =	vadd.f32 v30, v27  }
0x1e9: {  	v62 =	vld [tilespmem:s21+$0xF480];
	v30 =	vmul.f32 v56, v3;
	v31 =	vmul.f32 v31, v12;
	v29 =	vadd.f32 v60, v29  }
0x1ea: {  	s29 =	simm.s32 $0x0;
	v63 =	vld [tilespmem:s21+$0xF500];
	v28 =	vmul.f32 v28, v24;
	v25 =	vbroadcast v34, $0x6;
	v61 =	vadd.f32 v41, v26  }
0x1eb: {  	s7 =	sand.u32 $0x3FFFFF00, s29;
	v40 =	vld [tilespmem:s21+$0xF700];
	v30 =	vadd.f32 v30, v27;
	v26 =	vbroadcast v34, $0x7;
	v29 =	vadd.f32 v31, v29  }
0x1ec: {  	s19 =	sor.u32 s23, s7;
	v48 =	vld [tilespmem:s21+$0xF580];
	v35 =	vmul.f32 v53, v25;
	v28 =	vadd.f32 v28, v61;
	v31 =	vmul.f32 v58, v12  }
0x1ed: {  	s30 =	simm.s32 $0x40;
	v49 =	vld [tilespmem:s21+$0xF600];
	v27 =	vbroadcast v34, $0x8;
	[tilespmem:s19+$0x11C00] =	vst v29  }
0x1ee: {  	s7 =	sand.u32 $0x3FFFFF00, s30;
	v50 =	vmul.f32 v57, v26;
	v35 =	vadd.f32 v35, v28;
	v29 =	vadd.f32 v31, v30;
	v52 =	vld [tilespmem:s14+$0xD400]  }
0x1ef: {  	s20 =	sor.u32 s26, s7;
	v55 =	vld [tilespmem:s14+$0xD480]  }
0x1f0: {  	v51 =	vmul.f32 v59, v27;
	v28 =	vbroadcast v34, $0x9;
	v31 =	vadd.f32 v50, v35;
	v45 =	vld [tilespmem:s14+$0xD500];
	[tilespmem:s20+$0x11C00] =	vst v29  }
0x1f1: {  	v54 =	vld [tilespmem:s16+$0xD400]  }
0x1f2: {  	v30 =	vbroadcast v34, $0xA;
	v53 =	vmul.f32 v62, v28;
	v47 =	vld [tilespmem:s14+$0xD580];
	v31 =	vadd.f32 v51, v31  }
0x1f3: {  	v29 =	vbroadcast v34, $0xB;
	v57 =	vld [tilespmem:s16+$0xD480]  }
0x1f4: {  	v56 =	vmul.f32 v63, v30;
	v46 =	vld [tilespmem:s16+$0xD500];
	v31 =	vadd.f32 v53, v31  }
0x1f5: {  	v60 =	vld [tilespmem:s16+$0xD580];
	v36 =	vmul.f32 v48, v29;
	v37 =	vmul.f32 v52, v22  }
0x1f6: {  	v63 =	vld [tilespmem:s16+$0xD600];
	v35 =	vadd.f32 v56, v31;
	v31 =	vbroadcast v34, $0xC;
	v41 =	vmul.f32 v54, v22  }
0x1f7: {  	v38 =	vld [tilespmem:s21+$0xF680];
	v59 =	vmul.f32 v55, v20;
	v62 =	vmul.f32 v45, v19;
	v58 =	vadd.f32 v37, v32  }
0x1f8: {  	v48 =	vld [tilespmem:s14+$0xD600];
	v51 =	vmul.f32 v47, v21;
	v61 =	vmul.f32 v57, v20;
	v33 =	vadd.f32 v41, v33  }
0x1f9: {  	v53 =	vld [tilespmem:s14+$0xD700];
	v35 =	vadd.f32 v36, v35;
	v39 =	vmul.f32 v49, v31;
	v36 =	vadd.f32 v59, v58  }
0x1fa: {  	v32 =	vbroadcast v34, $0xD;
	v49 =	vld [tilespmem:s14+$0xD680];
	v50 =	vmul.f32 v46, v19;
	v41 =	vadd.f32 v61, v33  }
0x1fb: {  	v52 =	vld [tilespmem:s16+$0xD680];
	v44 =	vmul.f32 v60, v21;
	v43 =	vmul.f32 v63, v23;
	v36 =	vadd.f32 v62, v36  }
0x1fc: {  	v42 =	vld [tilespmem:s21+$0xF780];
	v35 =	vadd.f32 v39, v35;
	v38 =	vmul.f32 v38, v32;
	v41 =	vadd.f32 v50, v41  }
0x1fd: {  	v55 =	vld [tilespmem:s16+$0xD700];
	v54 =	vmul.f32 v48, v23;
	v33 =	vbroadcast v34, $0xE;
	v36 =	vadd.f32 v51, v36  }
0x1fe: {  	v56 =	vld [tilespmem:s14+$0xD780];
	v35 =	vadd.f32 v38, v35;
	v34 =	vbroadcast v34, $0xF;
	v41 =	vadd.f32 v44, v41  }
0x1ff: {  	v58 =	vld [tilespmem:s16+$0xD780];
	v57 =	vmul.f32 v49, v24;
	v40 =	vmul.f32 v40, v33;
	v36 =	vadd.f32 v54, v36  }
0x200: {  	v59 =	vld [tilespmem:s14+$0xF400];
	v61 =	vmul.f32 v52, v24;
	v62 =	vmul.f32 v53, v25;
	v60 =	vadd.f32 v43, v41  }
0x201: {  	v39 =	vld [tilespmem:s16+$0xF400];
	v42 =	vmul.f32 v42, v34;
	v35 =	vadd.f32 v40, v35;
	v36 =	vadd.f32 v57, v36  }
0x202: {  	v37 =	vld [tilespmem:s14+$0xF480];
	v63 =	vmul.f32 v55, v25;
	v40 =	vadd.f32 v61, v60  }
0x203: {  	v45 =	vmul.f32 v56, v26;
	v38 =	vld [tilespmem:s16+$0xF480];
	v42 =	vadd.f32 v42, v35;
	v36 =	vadd.f32 v62, v36  }
0x204: {  	v35 =	vld [tilespmem:s14+$0xF500];
	v43 =	vmul.f32 v58, v26;
	v40 =	vadd.f32 v63, v40  }
0x205: {  	s21 =	simm.s32 $0x0;
	[tilespmem:s22+$0x11C80] =	vst v42;
	v42 =	vmul.f32 v59, v27;
	v41 =	vadd.f32 v45, v36;
	v36 =	vld [tilespmem:s16+$0xF500]  }
.LBB2_5:
0x206: {  	s21 =	sadd.s32 $0x3, s21;
	v44 =	vld [tilespmem:s14+$0xF580];
	v40 =	vadd.f32 v43, v40;
	v39 =	vmul.f32 v39, v27  }
0x207: {  	s7 =	sshll.u32 s21, $0x7;
	s8 =	sshll.u32 s21, $0x5;
	v41 =	vadd.f32 v42, v41;
	v37 =	vmul.f32 v37, v28;
	v42 =	vld [tilespmem:s16+$0xF580]  }
0x208: {  	s18 =	sadd.s32 $0x30, s18;
	s22 =	sand.u32 $0x3FFFFC00, s7;
	s8 =	sand.u32 $0x3FFFFF00, s8;
	v43 =	vld [tilespmem:s14+$0xF600];
	v39 =	vadd.f32 v39, v40;
	v38 =	vmul.f32 v38, v28  }
0x209: {  	s23 =	sadd.s32 $0xFFFFFFE0, s18;
	s24 =	sshll.u32 s18, $0x3;
	s7 =	sadd.s32 $0xFFFFFFF0, s18;
	v37 =	vadd.f32 v37, v41;
	v35 =	vmul.f32 v35, v30;
	v40 =	vld [tilespmem:s16+$0xF600]  }
0x20a: {  	s23 =	sand.u32 $0x70, s23;
	s29 =	sand.u32 $0x3FFFFC00, s24;
	s25 =	sshll.u32 s7, $0x3;
	v41 =	vld [tilespmem:s14+$0xF680];
	v38 =	vadd.f32 v38, v39;
	v36 =	vmul.f32 v36, v30  }
0x20b: {  	s30 =	sand.u32 $0x70, s18;
	s28 =	sand.u32 $0x70, s7;
	s24 =	sand.u32 $0x3FFFFC00, s25;
	v35 =	vadd.f32 v35, v37;
	v37 =	vmul.f32 v44, v29;
	v44 =	vld [tilespmem:s16+$0xF680]  }
0x20c: {  	s26 =	sor.u32 s23, s22;
	s25 =	sor.u32 s30, s29;
	s24 =	sor.u32 s28, s24;
	v45 =	vld [tilespmem:s14+$0xF700];
	v36 =	vadd.f32 v36, v38;
	v38 =	vmul.f32 v42, v29  }
0x20d: {  	s17 =	sadd.s32 $0x30, s17;
	s22 =	sor.u32 s23, s8;
	s8 =	sshll.u32 s18, $0x1;
	v42 =	vld [tilespmem:s24+$0x9400];
	v35 =	vadd.f32 v37, v35;
	v37 =	vmul.f32 v43, v31  }
0x20e: {  	p0 =	slt.u32 s21, $0x3C;
	s8 =	sand.u32 $0x3FFFFF00, s8;
	v39 =	vld [tilespmem:s17+$0xFFFFFFF0];
	v36 =	vadd.f32 v38, v36;
	v38 =	vmul.f32 v40, v31  }
0x20f: {  	s23 =	sor.u32 s30, s8;
	v40 =	vld [tilespmem:s24+$0x9480];
	v35 =	vadd.f32 v37, v35;
	v37 =	vmul.f32 v41, v32  }
0x210: {  	v41 =	vld [tilespmem:s26+$0x9400];
	v36 =	vadd.f32 v38, v36;
	v38 =	vmul.f32 v44, v32  }
0x211: {  	v43 =	vld [tilespmem:s24+$0x9500];
	v35 =	vadd.f32 v37, v35;
	v37 =	vmul.f32 v45, v33  }
0x212: {  	v42 =	vmul.f32 v42, v17;
	v44 =	vld [tilespmem:s25+$0x9400];
	v38 =	vadd.f32 v38, v36  }
0x213: {  	v45 =	vld [tilespmem:s24+$0x9580];
	v37 =	vadd.f32 v37, v35  }
0x214: {  	v35 =	vld [tilespmem:s26+$0x9480];
	v36 =	vadd.f32 v42, v39;
	v40 =	vmul.f32 v40, v18  }
0x215: {  	v41 =	vmul.f32 v41, v17;
	v42 =	vld [tilespmem:s24+$0x9600]  }
0x216: {  	v40 =	vadd.f32 v40, v36;
	v43 =	vmul.f32 v43, v16;
	v46 =	vld [tilespmem:s25+$0x9480]  }
0x217: {  	v47 =	vld [tilespmem:s24+$0x9680];
	v44 =	vmul.f32 v44, v17  }
0x218: {  	v36 =	vld [tilespmem:s17+$0xFFFFFFE0];
	v40 =	vadd.f32 v43, v40;
	v43 =	vmul.f32 v45, v15  }
0x219: {  	v45 =	vmul.f32 v35, v18;
	v48 =	vld [tilespmem:s24+$0x9700]  }
0x21a: {  	v40 =	vadd.f32 v43, v40;
	v42 =	vmul.f32 v42, v14;
	v35 =	vld [tilespmem:s17+$0x0]  }
0x21b: {  	v43 =	vld [tilespmem:s24+$0x9780];
	v46 =	vmul.f32 v46, v18  }
0x21c: {  	v49 =	vld [tilespmem:s26+$0x9500];
	v40 =	vadd.f32 v42, v40;
	v42 =	vmul.f32 v47, v13  }
0x21d: {  	v41 =	vadd.f32 v41, v36;
	v47 =	vld [tilespmem:s24+$0xB400]  }
0x21e: {  	v40 =	vadd.f32 v42, v40;
	v42 =	vmul.f32 v48, v11;
	v48 =	vld [tilespmem:s25+$0x9500]  }
0x21f: {  	v41 =	vadd.f32 v45, v41;
	v45 =	vld [tilespmem:s24+$0xB480];
	v44 =	vadd.f32 v44, v35  }
0x220: {  	v50 =	vld [tilespmem:s26+$0x9580];
	v40 =	vadd.f32 v42, v40;
	v42 =	vmul.f32 v43, v10  }
0x221: {  	v43 =	vmul.f32 v49, v16;
	v49 =	vld [tilespmem:s24+$0xB500];
	v44 =	vadd.f32 v46, v44  }
0x222: {  	v40 =	vadd.f32 v42, v40;
	v42 =	vmul.f32 v47, v9;
	v46 =	vld [tilespmem:s25+$0x9580]  }
0x223: {  	v41 =	vadd.f32 v43, v41;
	v43 =	vld [tilespmem:s24+$0xB580];
	v47 =	vmul.f32 v48, v16  }
0x224: {  	v48 =	vld [tilespmem:s26+$0x9600];
	v40 =	vadd.f32 v42, v40;
	v42 =	vmul.f32 v45, v8  }
0x225: {  	v45 =	vmul.f32 v50, v15;
	v50 =	vld [tilespmem:s24+$0xB600];
	v44 =	vadd.f32 v47, v44  }
0x226: {  	v40 =	vadd.f32 v42, v40;
	v42 =	vmul.f32 v49, v7;
	v47 =	vld [tilespmem:s25+$0x9600]  }
0x227: {  	v41 =	vadd.f32 v45, v41;
	v45 =	vld [tilespmem:s24+$0xB680];
	v46 =	vmul.f32 v46, v15  }
0x228: {  	v49 =	vld [tilespmem:s26+$0x9680];
	v40 =	vadd.f32 v42, v40;
	v42 =	vmul.f32 v43, v6  }
0x229: {  	v43 =	vmul.f32 v48, v14;
	v48 =	vld [tilespmem:s24+$0xB700];
	v44 =	vadd.f32 v46, v44  }
0x22a: {  	v40 =	vadd.f32 v42, v40;
	v42 =	vmul.f32 v50, v5;
	v46 =	vld [tilespmem:s25+$0x9680]  }
0x22b: {  	v41 =	vadd.f32 v43, v41;
	v43 =	vld [tilespmem:s24+$0xB780];
	v47 =	vmul.f32 v47, v14  }
0x22c: {  	v50 =	vld [tilespmem:s26+$0x9700];
	v40 =	vadd.f32 v42, v40;
	v42 =	vmul.f32 v45, v4  }
0x22d: {  	v45 =	vmul.f32 v49, v13;
	v44 =	vadd.f32 v47, v44;
	v47 =	vld [tilespmem:s25+$0x9700]  }
0x22e: {  	v49 =	vld [tilespmem:s26+$0x9780];
	v40 =	vadd.f32 v42, v40;
	v42 =	vmul.f32 v48, v3  }
0x22f: {  	v41 =	vadd.f32 v45, v41;
	v45 =	vmul.f32 v46, v13;
	v46 =	vld [tilespmem:s25+$0x9780]  }
0x230: {  	v48 =	vld [tilespmem:s26+$0xB400];
	v40 =	vadd.f32 v42, v40;
	v42 =	vmul.f32 v43, v12  }
0x231: {  	s7 =	sshll.u32 s7, $0x1;
	v43 =	vmul.f32 v50, v11;
	v44 =	vadd.f32 v45, v44;
	v45 =	vld [tilespmem:s25+$0xB400]  }
0x232: {  	s7 =	sand.u32 $0x3FFFFF00, s7;
	v50 =	vld [tilespmem:s26+$0xB480];
	v40 =	vadd.f32 v42, v40;
	v42 =	vmul.f32 v47, v11  }
0x233: {  	s28 =	sor.u32 s28, s7;
	v41 =	vadd.f32 v43, v41;
	v43 =	vmul.f32 v49, v10;
	v47 =	vld [tilespmem:s25+$0xB480]  }
0x234: {  	v49 =	vld [tilespmem:s26+$0xB500];
	[tilespmem:s28+$0x11C00] =	vst v40;
	v40 =	vadd.f32 v42, v44;
	v42 =	vmul.f32 v46, v10  }
0x235: {  	v41 =	vadd.f32 v43, v41;
	v43 =	vmul.f32 v48, v9;
	v44 =	vld [tilespmem:s24+$0xD400]  }
0x236: {  	v40 =	vadd.f32 v42, v40;
	v42 =	vmul.f32 v45, v9;
	v45 =	vld [tilespmem:s25+$0xB500]  }
0x237: {  	v41 =	vadd.f32 v43, v41;
	v43 =	vmul.f32 v50, v8;
	v46 =	vld [tilespmem:s24+$0xD480]  }
0x238: {  	v48 =	vld [tilespmem:s26+$0xB580];
	v40 =	vadd.f32 v42, v40;
	v42 =	vmul.f32 v47, v8  }
0x239: {  	v41 =	vadd.f32 v43, v41;
	v43 =	vmul.f32 v49, v7;
	v47 =	vld [tilespmem:s24+$0xD500]  }
0x23a: {  	v44 =	vmul.f32 v44, v22;
	v40 =	vadd.f32 v42, v40;
	v42 =	vld [tilespmem:s25+$0xB580]  }
0x23b: {  	v41 =	vadd.f32 v43, v41;
	v43 =	vld [tilespmem:s24+$0xD580];
	v45 =	vmul.f32 v45, v7  }
0x23c: {  	v49 =	vld [tilespmem:s26+$0xB600];
	v39 =	vadd.f32 v44, v39;
	v44 =	vmul.f32 v46, v20  }
0x23d: {  	v46 =	vmul.f32 v48, v6;
	v48 =	vld [tilespmem:s24+$0xD600];
	v40 =	vadd.f32 v45, v40  }
0x23e: {  	v39 =	vadd.f32 v44, v39;
	v44 =	vmul.f32 v47, v19;
	v45 =	vld [tilespmem:s25+$0xB600]  }
0x23f: {  	v41 =	vadd.f32 v46, v41;
	v46 =	vld [tilespmem:s24+$0xD680];
	v42 =	vmul.f32 v42, v6  }
0x240: {  	v47 =	vld [tilespmem:s26+$0xB680];
	v39 =	vadd.f32 v44, v39;
	v43 =	vmul.f32 v43, v21  }
0x241: {  	v44 =	vmul.f32 v49, v5;
	v49 =	vld [tilespmem:s24+$0xD700];
	v40 =	vadd.f32 v42, v40  }
0x242: {  	v39 =	vadd.f32 v43, v39;
	v42 =	vmul.f32 v48, v23;
	v43 =	vld [tilespmem:s25+$0xB680]  }
0x243: {  	v41 =	vadd.f32 v44, v41;
	v44 =	vld [tilespmem:s24+$0xD780];
	v45 =	vmul.f32 v45, v5  }
0x244: {  	v48 =	vld [tilespmem:s26+$0xB700];
	v39 =	vadd.f32 v42, v39;
	v42 =	vmul.f32 v46, v24  }
0x245: {  	v46 =	vmul.f32 v47, v4;
	v47 =	vld [tilespmem:s24+$0xF400];
	v40 =	vadd.f32 v45, v40  }
0x246: {  	v39 =	vadd.f32 v42, v39;
	v42 =	vmul.f32 v49, v25;
	v45 =	vld [tilespmem:s25+$0xB700]  }
0x247: {  	v41 =	vadd.f32 v46, v41;
	v46 =	vld [tilespmem:s24+$0xF480];
	v43 =	vmul.f32 v43, v4  }
0x248: {  	v49 =	vld [tilespmem:s26+$0xB780];
	v39 =	vadd.f32 v42, v39;
	v42 =	vmul.f32 v44, v26  }
0x249: {  	v44 =	vmul.f32 v48, v3;
	v48 =	vld [tilespmem:s24+$0xF500];
	v40 =	vadd.f32 v43, v40  }
0x24a: {  	v39 =	vadd.f32 v42, v39;
	v42 =	vmul.f32 v47, v27;
	v43 =	vld [tilespmem:s25+$0xB780]  }
0x24b: {  	v41 =	vadd.f32 v44, v41;
	v44 =	vld [tilespmem:s24+$0xF580];
	v45 =	vmul.f32 v45, v3  }
0x24c: {  	v39 =	vadd.f32 v42, v39;
	v42 =	vmul.f32 v46, v28;
	v46 =	vld [tilespmem:s16+$0xF700]  }
0x24d: {  	v47 =	vmul.f32 v49, v12;
	v49 =	vld [tilespmem:s24+$0xF600];
	v40 =	vadd.f32 v45, v40  }
0x24e: {  	v39 =	vadd.f32 v42, v39;
	v42 =	vmul.f32 v48, v30;
	v45 =	vld [tilespmem:s14+$0xF780];
	s14 =	smov.u32 s26  }
0x24f: {  	v41 =	vadd.f32 v47, v41;
	v47 =	vld [tilespmem:s24+$0xF680];
	v43 =	vmul.f32 v43, v12  }
0x250: {  	v39 =	vadd.f32 v42, v39;
	v42 =	vmul.f32 v44, v29;
	v44 =	vld [tilespmem:s16+$0xF780];
	s16 =	smov.u32 s25  }
0x251: {  	[tilespmem:s22+$0x11C00] =	vst v41;
	v41 =	vld [tilespmem:s24+$0xF700];
	v40 =	vadd.f32 v43, v40;
	v43 =	vmul.f32 v46, v33  }
0x252: {  	v46 =	vld [tilespmem:s14+$0xD400];
	v39 =	vadd.f32 v42, v39;
	v42 =	vmul.f32 v49, v31  }
0x253: {  	v48 =	vld [tilespmem:s24+$0xF780];
	[tilespmem:s23+$0x11C00] =	vst v40;
	v40 =	vmul.f32 v45, v34;
	v38 =	vadd.f32 v43, v38  }
0x254: {  	v39 =	vadd.f32 v42, v39;
	v42 =	vmul.f32 v47, v32;
	v43 =	vld [tilespmem:s16+$0xD400]  }
0x255: {  	v45 =	vld [tilespmem:s14+$0xD480];
	v37 =	vadd.f32 v40, v37;
	v40 =	vmul.f32 v44, v34  }
0x256: {  	v39 =	vadd.f32 v42, v39;
	v41 =	vmul.f32 v41, v33;
	v42 =	vld [tilespmem:s16+$0xD480]  }
0x257: {  	v44 =	vmul.f32 v46, v22;
	v46 =	vld [tilespmem:s14+$0xD500];
	[tilespmem:s19+$0x11C80] =	vst v37;
	v37 =	vadd.f32 v40, v38;
	s19 =	smov.u32 s22  }
0x258: {  	v38 =	vadd.f32 v41, v39;
	v39 =	vmul.f32 v48, v34;
	v40 =	vld [tilespmem:s16+$0xD500]  }
0x259: {  	v36 =	vadd.f32 v44, v36;
	v41 =	vld [tilespmem:s14+$0xD580];
	v43 =	vmul.f32 v43, v22;
	[tilespmem:s20+$0x11C80] =	vst v37;
	s20 =	smov.u32 s23  }
0x25a: {  	v37 =	vmul.f32 v45, v20;
	v38 =	vadd.f32 v39, v38;
	v39 =	vld [tilespmem:s16+$0xD580]  }
0x25b: {  	v44 =	vld [tilespmem:s14+$0xD600];
	v35 =	vadd.f32 v43, v35;
	v42 =	vmul.f32 v42, v20  }
0x25c: {  	v36 =	vadd.f32 v37, v36;
	v37 =	vmul.f32 v46, v19;
	[tilespmem:s28+$0x11C80] =	vst v38;
	v38 =	vld [tilespmem:s16+$0xD600]  }
0x25d: {  	v43 =	vld [tilespmem:s14+$0xD680];
	v35 =	vadd.f32 v42, v35;
	v40 =	vmul.f32 v40, v19  }
0x25e: {  	v36 =	vadd.f32 v37, v36;
	v37 =	vmul.f32 v41, v21;
	v41 =	vld [tilespmem:s16+$0xD680]  }
0x25f: {  	v42 =	vld [tilespmem:s14+$0xD700];
	v35 =	vadd.f32 v40, v35;
	v39 =	vmul.f32 v39, v21  }
0x260: {  	v36 =	vadd.f32 v37, v36;
	v37 =	vmul.f32 v44, v23;
	v40 =	vld [tilespmem:s16+$0xD700]  }
0x261: {  	v44 =	vld [tilespmem:s14+$0xD780];
	v35 =	vadd.f32 v39, v35;
	v38 =	vmul.f32 v38, v23  }
0x262: {  	v36 =	vadd.f32 v37, v36;
	v37 =	vmul.f32 v43, v24;
	v43 =	vld [tilespmem:s16+$0xD780]  }
0x263: {  	v45 =	vld [tilespmem:s14+$0xF400];
	v35 =	vadd.f32 v38, v35;
	v38 =	vmul.f32 v41, v24  }
.Ltmp1:
0x264: {  	v36 =	vadd.f32 v37, v36;
	v41 =	vmul.f32 v42, v25;
	v39 =	vld [tilespmem:s16+$0xF400];
	(pc) =	sbr.rel @p0 .LBB2_5-.Ltmp1, $4  }
0x265: {  	v37 =	vld [tilespmem:s14+$0xF480];
	v42 =	vadd.f32 v38, v35;
	v40 =	vmul.f32 v40, v25  }
0x266: {  	v36 =	vadd.f32 v41, v36;
	v41 =	vmul.f32 v44, v26;
	v38 =	vld [tilespmem:s16+$0xF480]  }
0x267: {  	v35 =	vld [tilespmem:s14+$0xF500];
	v40 =	vadd.f32 v40, v42;
	v43 =	vmul.f32 v43, v26  }
0x268: {  	v41 =	vadd.f32 v41, v36;
	v42 =	vmul.f32 v45, v27;
	v36 =	vld [tilespmem:s16+$0xF500]  }
0x269: {  	v44 =	vld [tilespmem:s14+$0xF580];
	v40 =	vadd.f32 v43, v40;
	v39 =	vmul.f32 v39, v27  }
0x26a: {  	v54 =	vld [tilespmem:s16+$0xF580];
	v41 =	vadd.f32 v42, v41;
	v37 =	vmul.f32 v37, v28  }
0x26b: {  	v55 =	vld [tilespmem:s14+$0xF600];
	v39 =	vadd.f32 v39, v40;
	v38 =	vmul.f32 v38, v28  }
0x26c: {  	v56 =	vld [tilespmem:s16+$0xF600];
	v37 =	vadd.f32 v37, v41;
	v35 =	vmul.f32 v35, v30  }
0x26d: {  	v57 =	vld [tilespmem:s14+$0xF680];
	v38 =	vadd.f32 v38, v39;
	v36 =	vmul.f32 v36, v30  }
0x26e: {  	v59 =	vld [tilespmem:s16+$0xF680];
	v35 =	vadd.f32 v35, v37;
	v58 =	vmul.f32 v44, v29  }
0x26f: {  	v60 =	vld [tilespmem:s14+$0xF700];
	v61 =	vmul.f32 v54, v29;
	v36 =	vadd.f32 v36, v38  }
0x270: {  	v63 =	vld [tilespmem:s16+$0xF700];
	v62 =	vmul.f32 v55, v31;
	v35 =	vadd.f32 v58, v35  }
0x271: {  	v46 =	vld [tilespmem:s14+$0xF780];
	v45 =	vmul.f32 v56, v31;
	v36 =	vadd.f32 v61, v36  }
0x272: {  	v48 =	vld [tilespmem:s16+$0xF780];
	v47 =	vmul.f32 v57, v32;
	v35 =	vadd.f32 v62, v35  }
0x273: {  	v49 =	vmul.f32 v59, v32;
	v36 =	vadd.f32 v45, v36  }
0x274: {  	v50 =	vmul.f32 v60, v33;
	v35 =	vadd.f32 v47, v35  }
0x275: {  	v51 =	vmul.f32 v63, v33;
	v36 =	vadd.f32 v49, v36  }
0x276: {  	v52 =	vmul.f32 v46, v34;
	v35 =	vadd.f32 v50, v35  }
0x277: {  	v53 =	vmul.f32 v48, v34;
	v36 =	vadd.f32 v51, v36  }
0x278: {  	v35 =	vadd.f32 v52, v35  }
0x279: {  	v36 =	vadd.f32 v53, v36  }
0x27a: {  	[tilespmem:s19+$0x11C80] =	vst v35  }
0x27b: {  	[tilespmem:s20+$0x11C80] =	vst v36  }
0x27c: {  	v35 =	vld [tilespmem:$0x13F0]  }
0x27d: {  	v36 =	vld [tilespmem:$0xB070]  }
0x27e: {  	v54 =	vld [tilespmem:$0xF070]  }
0x27f: {  	v55 =	vld [tilespmem:$0xB0F0]  }
0x280: {  	v56 =	vld [tilespmem:$0xF0F0]  }
0x281: {  	v57 =	vld [tilespmem:$0xB170]  }
0x282: {  	v58 =	vld [tilespmem:$0xF170];
	v17 =	vmul.f32 v36, v17  }
0x283: {  	v59 =	vld [tilespmem:$0xB1F0];
	v22 =	vmul.f32 v54, v22  }
0x284: {  	v60 =	vld [tilespmem:$0xF1F0];
	v18 =	vmul.f32 v55, v18;
	v17 =	vadd.f32 v17, v35  }
0x285: {  	v61 =	vld [tilespmem:$0xB270];
	v20 =	vmul.f32 v56, v20;
	v22 =	vadd.f32 v22, v35  }
0x286: {  	v62 =	vld [tilespmem:$0xF270];
	v16 =	vmul.f32 v57, v16;
	v17 =	vadd.f32 v18, v17  }
0x287: {  	v63 =	vld [tilespmem:$0xB2F0];
	v19 =	vmul.f32 v58, v19;
	v20 =	vadd.f32 v20, v22  }
0x288: {  	v39 =	vld [tilespmem:$0xF2F0];
	v15 =	vmul.f32 v59, v15;
	v16 =	vadd.f32 v16, v17  }
0x289: {  	v40 =	vld [tilespmem:$0xB370];
	v41 =	vmul.f32 v60, v21;
	v19 =	vadd.f32 v19, v20  }
0x28a: {  	v42 =	vld [tilespmem:$0xF370];
	v14 =	vmul.f32 v61, v14;
	v15 =	vadd.f32 v15, v16  }
0x28b: {  	v43 =	vld [tilespmem:$0xB3F0];
	v18 =	vmul.f32 v62, v23;
	v19 =	vadd.f32 v41, v19  }
0x28c: {  	v44 =	vld [tilespmem:$0xF3F0];
	v13 =	vmul.f32 v63, v13;
	v14 =	vadd.f32 v14, v15  }
0x28d: {  	v45 =	vld [tilespmem:$0xD070];
	v17 =	vmul.f32 v39, v24;
	v18 =	vadd.f32 v18, v19  }
0x28e: {  	v46 =	vld [tilespmem:$0x11070];
	v11 =	vmul.f32 v40, v11;
	v13 =	vadd.f32 v13, v14  }
0x28f: {  	v47 =	vld [tilespmem:$0xD0F0];
	v16 =	vmul.f32 v42, v25;
	v17 =	vadd.f32 v17, v18  }
0x290: {  	v48 =	vld [tilespmem:$0x110F0];
	v10 =	vmul.f32 v43, v10;
	v11 =	vadd.f32 v11, v13  }
0x291: {  	v49 =	vld [tilespmem:$0xD170];
	v15 =	vmul.f32 v44, v26;
	v16 =	vadd.f32 v16, v17  }
0x292: {  	v50 =	vld [tilespmem:$0x11170];
	v9 =	vmul.f32 v45, v9;
	v10 =	vadd.f32 v10, v11  }
0x293: {  	v51 =	vld [tilespmem:$0xD1F0];
	v14 =	vmul.f32 v46, v27;
	v15 =	vadd.f32 v15, v16  }
0x294: {  	v52 =	vld [tilespmem:$0x111F0];
	v8 =	vmul.f32 v47, v8;
	v9 =	vadd.f32 v9, v10  }
0x295: {  	v53 =	vld [tilespmem:$0xD270];
	v13 =	vmul.f32 v48, v28;
	v14 =	vadd.f32 v14, v15  }
0x296: {  	v7 =	vmul.f32 v49, v7;
	v54 =	vld [tilespmem:$0x11270];
	v8 =	vadd.f32 v8, v9  }
0x297: {  	v55 =	vld [tilespmem:$0xD2F0];
	v11 =	vmul.f32 v50, v30;
	v13 =	vadd.f32 v13, v14  }
0x298: {  	v6 =	vmul.f32 v51, v6;
	v56 =	vld [tilespmem:$0x112F0];
	v7 =	vadd.f32 v7, v8  }
0x299: {  	v57 =	vld [tilespmem:$0xD370];
	v10 =	vmul.f32 v52, v29;
	v11 =	vadd.f32 v11, v13  }
0x29a: {  	v5 =	vmul.f32 v53, v5;
	v58 =	vld [tilespmem:$0x11370];
	v6 =	vadd.f32 v6, v7  }
0x29b: {  	v59 =	vld [tilespmem:$0xD3F0];
	v9 =	vmul.f32 v54, v31;
	v10 =	vadd.f32 v10, v11  }
0x29c: {  	v60 =	vld [tilespmem:$0x113F0];
	v4 =	vmul.f32 v55, v4;
	v5 =	vadd.f32 v5, v6  }
0x29d: {  	v8 =	vmul.f32 v56, v32;
	v9 =	vadd.f32 v9, v10  }
0x29e: {  	v3 =	vmul.f32 v57, v3;
	v4 =	vadd.f32 v4, v5  }
0x29f: {  	v7 =	vmul.f32 v58, v33;
	v61 =	vadd.f32 v8, v9  }
0x2a0: {  	s3 =	sadd.s32 $0x1, s3;
	v62 =	vmul.f32 v59, v12;
	v3 =	vadd.f32 v3, v4  }
0x2a1: {  	p0 =	sne.s32 s3, $0x20;
	v6 =	vmul.f32 v60, v34;
	v5 =	vadd.f32 v7, v61  }
.Ltmp2:
0x2a2: {  	v3 =	vadd.f32 v62, v3;
	(pc) =	sbr.rel @p0 .LBB2_2-.Ltmp2, $4  }
0x2a3: {  	s7 =	sand.u32 $0x60, s12;
	v63 =	vadd.f32 v6, v5  }
0x2a4: {  	s7 =	sadd.s32 s4, s7;
	[tilespmem:$0x12370] =	vst v3  }
0x2a5: {  	s8 =	simm.s32 $0x11C00;
	s7 =	sadd.s32 s13, s7;
	[tilespmem:$0x123F0] =	vst v63  }
0x2a6: {  	[hbm4b:s7+s31] =	stream.strided.scatter [tilespmem:s8], [sflag:$0x4], $0x800, s0, s31, $0x38;
	[tilespmem:$0x12400] =	vst v63  }
0x2a7: {  	s8 =	simm.s32 $0x3  }
0x2a8: {  	_ =	swait.ge [sflag:s8], $0x800  }
0x2a9: {  	[sflag:s8] =	ssyncset.done $0x0  }
0x2aa: {  	s7 =	simm.s32 $0x4;
	[sflag:s8] =	ssyncadd.s32 $0xFFFFF800  }
0x2ab: {  	_ =	swait.ge [sflag:s7], $0x800  }
0x2ac: {  	s12 =	rddreg [dreg:$0x9]  }
0x2ad: {  	s3 =	rddreg [dreg:$0x8];
	s12 =	sadd.s32 $0x1, s12  }
0x2ae: {  	p0 =	sne.s32 s12, s3  }
.Ltmp3:
0x2af: {  	_ = 	snop;
	(pc) =	sbr.rel @p0 .LBB2_1-.Ltmp3, $3  }
0x2b0: {  	_ =	sdelay $0x1  }
0x2b1: {  	[sflag:s7] =	ssyncset.done $0x0  }
0x2b2: {  	[sflag:s7] =	ssyncadd.s32 $0xFFFFF800  }
0x2b3: {  	_ =	sfence.sel $0x180000  }
0x2b4: {  	[bflag:$0x0] =	sbarrier.arrive $0xFFFF  }
0x2b5: {  	_ =	strace $0x90000047  }
0x2b6: {  	s0 =	stileid.u32;
	[bflag:$0x2] =	sbarrier.arrive $0xFFFF  }
0x2b7: {  	p0 =	sne.s32 s0, $0x0;
	s0 =	rddreg [dreg:$0x5]  }
0x2b8: {  	s0 =	sadd.s32 @!p0 $0x100000, s0  }
0x2b9: {  	[sflag:s0] =	ssyncadd.tile.s32 @!p0 $0x1;
	_ =	shalt  }
.Lfunc_end2:
_tile_overlayer_lowered:
.L_overlay_start_2:
0x2ba: {  	(tag) =	ssettag $0x2  }
0x2bb: {  	s0 =	rddreg [dreg:$0x0];
	s2 =	stileid.u32  }
0x2bc: {  	s1 =	rddreg [dreg:$0x1];
	p0 =	sne.s32 s2, $0x0  }
0x2bd: {  	s3 =	rddreg [dreg:$0x2];
	[bflag:$0x3] =	sbarrier.arrive $0xFFFF;
	s2 =	simm.s32 @!p0 $0x1C05  }
0x2be: {  	[timem:s3], [sflag:s2] =	dma.local @!p0 [hbm:s0], s1  }
0x2bf: {  	s0 =	simm.s32 @!p0 $0x5  }
0x2c0: {  	_ =	swait.ge @!p0 [sflag:s0], s1  }
0x2c1: {  	s1 =	ssub.s32 @!p0 $0x0, s1;
	[sflag:s0] =	ssyncset.done @!p0 $0x0  }
0x2c2: {  	[sflag:s0] =	ssyncadd.s32 @!p0 s1  }
0x2c3: {  	[bflag:$0x3] =	sbarrier.arrive $0xFFFF  }
0x2c4: {  	_ =	shalt  }

</sc_bundles>
